<compile_context>
chip_gen: v7x
topology: tpu7x:2x2x1
jax: 0.10.2.dev20260603
libtpu: 0.0.44.dev20260713+nightly
codegen_flags: <defaults>
</compile_context>

<pallas_src>
import functools

import jax
import jax.numpy as jnp
from jax import lax
from jax.experimental import pallas as pl
from jax.experimental.pallas import tpu as pltpu
from jax.experimental.pallas import tpu_sc as plsc

DIM = 128
TOTAL = 4096 * 200

NC = 2
NS = 16
NW = NC * NS
PER_W = TOTAL // NW
CHUNK = 128
NCHUNK = PER_W // CHUNK
NBUF = 4


def _sc_body(idx_hbm, table_hbm, out_hbm, idx_v, rows_v, gsem, osem):
    wid = lax.axis_index("s") * NC + lax.axis_index("c")
    row0 = wid * PER_W

    pltpu.sync_copy(idx_hbm.at[wid], idx_v)

    def step(i, carry):
        j = i * NBUF
        for b in range(NBUF):
            @pl.when(i > 0)
            def _():
                pltpu.make_async_copy(
                    out_hbm.at[pl.ds(0, CHUNK)], rows_v.at[b], osem.at[b]
                ).wait()

            pltpu.async_copy(
                table_hbm.at[idx_v.at[j + b]], rows_v.at[b], gsem.at[b]
            )
        for b in range(NBUF):
            pltpu.make_async_copy(
                table_hbm.at[idx_v.at[j + b]], rows_v.at[b], gsem.at[b]
            ).wait()
            pltpu.async_copy(
                rows_v.at[b],
                out_hbm.at[pl.ds(row0 + (j + b) * CHUNK, CHUNK)],
                osem.at[b],
            )
        return carry

    lax.fori_loop(0, NCHUNK // NBUF, step, 0)
    for b in range(NBUF):
        pltpu.make_async_copy(
            out_hbm.at[pl.ds(0, CHUNK)], rows_v.at[b], osem.at[b]
        ).wait()


@jax.jit
def _embed(idx3, weight):
    mesh = plsc.VectorSubcoreMesh(core_axis_name="c", subcore_axis_name="s")
    k = functools.partial(
        pl.kernel,
        mesh=mesh,
        out_type=jax.ShapeDtypeStruct((TOTAL, DIM), jnp.float32),
        scratch_types=[
            pltpu.VMEM((NCHUNK, CHUNK), jnp.int32),
            pltpu.VMEM((NBUF, CHUNK, DIM), jnp.float32),
            pltpu.SemaphoreType.DMA((NBUF,)),
            pltpu.SemaphoreType.DMA((NBUF,)),
        ],
    )(_sc_body)
    return k(idx3, weight)


def kernel(token_ids, weight):
    idx3 = token_ids.astype(jnp.int32).reshape(NW, NCHUNK, CHUNK)
    out = _embed(idx3, weight)
    return out.reshape(token_ids.shape[0], token_ids.shape[1], DIM)

# --- scband reference (transcript-rebuilt; emitter-appended) ---
"""Pipeline reference for scband-embedding-7533372637521 (READ-ONLY COPY).

The authoritative reference and input builder live on the scoring server;
editing this copy changes nothing except your own understanding.
"""

import jax, jax.numpy as jnp
import numpy as np

NUM_EMBEDDINGS = 100000
EMBEDDING_DIM = 128
BATCH = 4096
SEQ_LEN = 200


def setup_inputs(seed: int = 0) -> dict:
    key = jax.random.key(seed)
    k_idx, k_w = jax.random.split(key)
    token_ids = jax.random.randint(k_idx, (BATCH, SEQ_LEN), 0, NUM_EMBEDDINGS, dtype=jnp.int64 if jax.config.jax_enable_x64 else jnp.int32)
    # trunc_normal_(mean=0, std=1, a=-3, b=+3) approximated by clipped standard normal
    weight = jnp.clip(jax.random.normal(k_w, (NUM_EMBEDDINGS, EMBEDDING_DIM), dtype=jnp.float32), -3.0, 3.0)
    return {"token_ids": token_ids, "weight": weight}


def reference(token_ids, weight):
    # Embedding lookup: weight[token_ids] -> (batch, seq_len, embedding_dim)
    return jnp.take(weight, token_ids.astype(jnp.int32), axis=0)

if __name__ == "__main__":
    import jax
    _d = setup_inputs()
    print(jax.jit(kernel)(*tuple(_d.values())))

</pallas_src>

<mosaic_0001>
#map = affine_map<(d0, d1) -> (0, 0, 0)>
#map1 = affine_map<(d0, d1) -> (0, 0)>
module attributes {stable_mosaic.version = 14 : i64} {
  func.func @_sc_body(%arg0: i32, %arg1: i32, %arg2: memref<32x200x128xi32, #tpu.memory_space<hbm>>, %arg3: memref<100000x128xf32, #tpu.memory_space<hbm>>, %arg4: memref<819200x128xf32, #tpu.memory_space<hbm>>, %arg5: memref<200x128xi32, #tpu.memory_space<vmem>>, %arg6: memref<4x128x128xf32, #tpu.memory_space<vmem>>, %arg7: memref<4x!tpu.dma_semaphore, #tpu.memory_space<semaphore_mem>>, %arg8: memref<4x!tpu.dma_semaphore, #tpu.memory_space<semaphore_mem>>) attributes {dimension_semantics = [#tpu.dimension_semantics<core_parallel>, #tpu.dimension_semantics<subcore_parallel>], iteration_bounds = array<i64: 2, 16>, scalar_prefetch = 0 : i64, scratch_operands = 4 : i64, tpu.core_type = #tpu.core_type<sc_vector_subcore>, window_params = [{transform_indices = #map}, {transform_indices = #map1}, {transform_indices = #map1}]} {
    %mul3A = arith.constant 2 : i32
    %mul3A_0 = arith.muli %arg1, %mul3A : i32
    %add3A = arith.addi %mul3A_0, %arg0 : i32
    %mul3A_1 = arith.constant 25600 : i32
    %mul3A_2 = arith.muli %add3A, %mul3A_1 : i32
    "tpu.region"() ({
      %run_scoped3A = tpu.sem_alloc : memref<!tpu.dma_semaphore, #tpu.memory_space<semaphore_mem>>
      %dma_start3A = arith.constant 0 : i32
      %dma_start3A_79 = arith.constant 0 : i32
      %dma_start3A_80 = tpu.memref_slice %arg2[%add3A, %dma_start3A, %dma_start3A_79] : memref<32x200x128xi32, #tpu.memory_space<hbm>> -> memref<1x200x128xi32, #tpu.memory_space<hbm>>
      %dma_start3A_81 = tpu.memref_squeeze %dma_start3A_80 : memref<1x200x128xi32, #tpu.memory_space<hbm>> -> memref<200x128xi32, #tpu.memory_space<hbm>>
      %dma_start3A_82 = arith.constant 0 : i32
      %dma_start3A_83 = arith.constant 0 : i32
      %dma_start3A_84 = tpu.memref_slice %arg2[%add3A, %dma_start3A_82, %dma_start3A_83] : memref<32x200x128xi32, #tpu.memory_space<hbm>> -> memref<1x200x128xi32, #tpu.memory_space<hbm>>
      %dma_start3A_85 = tpu.memref_squeeze %dma_start3A_84 : memref<1x200x128xi32, #tpu.memory_space<hbm>> -> memref<200x128xi32, #tpu.memory_space<hbm>>
      tpu.enqueue_dma source(%dma_start3A_85 : memref<200x128xi32, #tpu.memory_space<hbm>>) target(%arg5 : memref<200x128xi32, #tpu.memory_space<vmem>>) target_semaphore(%run_scoped3A : memref<!tpu.dma_semaphore, #tpu.memory_space<semaphore_mem>>)
      %dma_wait3A_86 = arith.constant 0 : i32
      %dma_wait3A_87 = arith.constant 0 : i32
      %dma_wait3A_88 = tpu.memref_slice %arg2[%add3A, %dma_wait3A_86, %dma_wait3A_87] : memref<32x200x128xi32, #tpu.memory_space<hbm>> -> memref<1x200x128xi32, #tpu.memory_space<hbm>>
      %dma_wait3A_89 = tpu.memref_squeeze %dma_wait3A_88 : memref<1x200x128xi32, #tpu.memory_space<hbm>> -> memref<200x128xi32, #tpu.memory_space<hbm>>
      %dma_wait3A_90 = arith.constant 0 : i32
      %dma_wait3A_91 = arith.constant 0 : i32
      %dma_wait3A_92 = tpu.memref_slice %arg2[%add3A, %dma_wait3A_90, %dma_wait3A_91] : memref<32x200x128xi32, #tpu.memory_space<hbm>> -> memref<1x200x128xi32, #tpu.memory_space<hbm>>
      %dma_wait3A_93 = tpu.memref_squeeze %dma_wait3A_92 : memref<1x200x128xi32, #tpu.memory_space<hbm>> -> memref<200x128xi32, #tpu.memory_space<hbm>>
      tpu.wait_dma2 semaphore(%run_scoped3A : memref<!tpu.dma_semaphore, #tpu.memory_space<semaphore_mem>>) src(%dma_wait3A_93 : memref<200x128xi32, #tpu.memory_space<hbm>>) dst(%arg5 : memref<200x128xi32, #tpu.memory_space<vmem>>)
      tpu.yield
    }) : () -> ()
    %scan3A = arith.constant 0 : i32
    %scan3A_3 = arith.constant 0 : i32
    %scan3A_4 = arith.constant 50 : i32
    %scan3A_5 = arith.addi %scan3A_3, %scan3A_4 : i32
    %scan3A_6 = arith.constant 1 : i32
    scf.for %scan3A_79 = %scan3A_3 to %scan3A_5 step %scan3A_6  : i32 {
      %mul3A_80 = arith.constant 4 : i32
      %mul3A_81 = arith.muli %scan3A_79, %mul3A_80 : i32
      %gt3A = arith.constant 0 : i32
      %gt3A_82 = arith.cmpi sgt, %scan3A_79, %gt3A : i32
      %convert_element_type3A = arith.extui %gt3A_82 : i1 to i32
      %cond3A = arith.constant 0 : i32
      %cond3A_83 = arith.cmpi ne, %convert_element_type3A, %cond3A : i32
      scf.if %cond3A_83 {
        %dma_wait3A_310 = arith.constant 0 : i32
        %dma_wait3A_311 = arith.constant 0 : i32
        %dma_wait3A_312 = arith.constant 0 : i32
        %dma_wait3A_313 = arith.constant 0 : i32
        %dma_wait3A_314 = tpu.memref_slice %arg6[%dma_wait3A_310, %dma_wait3A_312, %dma_wait3A_313] : memref<4x128x128xf32, #tpu.memory_space<vmem>> -> memref<1x128x128xf32, #tpu.memory_space<vmem>>
        %dma_wait3A_315 = tpu.memref_squeeze %dma_wait3A_314 : memref<1x128x128xf32, #tpu.memory_space<vmem>> -> memref<128x128xf32, #tpu.memory_space<vmem>>
        %dma_wait3A_316 = arith.constant 0 : i32
        %dma_wait3A_317 = arith.constant 0 : i32
        %dma_wait3A_318 = tpu.memref_slice %arg4[%dma_wait3A_316, %dma_wait3A_317] : memref<819200x128xf32, #tpu.memory_space<hbm>> -> memref<128x128xf32, #tpu.memory_space<hbm>>
        %dma_wait3A_319 = tpu.memref_slice %arg8[%dma_wait3A_311] : memref<4x!tpu.dma_semaphore, #tpu.memory_space<semaphore_mem>> -> memref<1x!tpu.dma_semaphore, #tpu.memory_space<semaphore_mem>>
        %dma_wait3A_320 = tpu.memref_squeeze %dma_wait3A_319 : memref<1x!tpu.dma_semaphore, #tpu.memory_space<semaphore_mem>> -> memref<!tpu.dma_semaphore, #tpu.memory_space<semaphore_mem>>
        %dma_wait3A_321 = arith.constant 0 : i32
        %dma_wait3A_322 = arith.constant 0 : i32
        %dma_wait3A_323 = tpu.memref_slice %arg6[%dma_wait3A_310, %dma_wait3A_321, %dma_wait3A_322] : memref<4x128x128xf32, #tpu.memory_space<vmem>> -> memref<1x128x128xf32, #tpu.memory_space<vmem>>
        %dma_wait3A_324 = tpu.memref_squeeze %dma_wait3A_323 : memref<1x128x128xf32, #tpu.memory_space<vmem>> -> memref<128x128xf32, #tpu.memory_space<vmem>>
        %dma_wait3A_325 = arith.constant 0 : i32
        %dma_wait3A_326 = arith.constant 0 : i32
        %dma_wait3A_327 = tpu.memref_slice %arg4[%dma_wait3A_325, %dma_wait3A_326] : memref<819200x128xf32, #tpu.memory_space<hbm>> -> memref<128x128xf32, #tpu.memory_space<hbm>>
        tpu.wait_dma2 semaphore(%dma_wait3A_320 : memref<!tpu.dma_semaphore, #tpu.memory_space<semaphore_mem>>) src(%dma_wait3A_327 : memref<128x128xf32, #tpu.memory_space<hbm>>) dst(%dma_wait3A_324 : memref<128x128xf32, #tpu.memory_space<vmem>>)
      } else {
      }
      %add3A_84 = arith.constant 0 : i32
      %add3A_85 = arith.addi %mul3A_81, %add3A_84 : i32
      %dma_start3A = arith.constant 0 : i32
      %dma_start3A_86 = arith.constant 0 : i32
      %dma_start3A_87 = arith.constant 0 : i32
      %dma_start3A_88 = arith.constant 0 : i32
      %dma_start3A_89 = tpu.memref_slice %arg6[%dma_start3A, %dma_start3A_87, %dma_start3A_88] : memref<4x128x128xf32, #tpu.memory_space<vmem>> -> memref<1x128x128xf32, #tpu.memory_space<vmem>>
      %dma_start3A_90 = tpu.memref_squeeze %dma_start3A_89 : memref<1x128x128xf32, #tpu.memory_space<vmem>> -> memref<128x128xf32, #tpu.memory_space<vmem>>
      %dma_start3A_91 = arith.constant 0 : i32
      %dma_start3A_92 = tpu.memref_slice %arg5[%add3A_85, %dma_start3A_91] : memref<200x128xi32, #tpu.memory_space<vmem>> -> memref<1x128xi32, #tpu.memory_space<vmem>>
      %dma_start3A_93 = tpu.memref_squeeze %dma_start3A_92 : memref<1x128xi32, #tpu.memory_space<vmem>> -> memref<128xi32, #tpu.memory_space<vmem>>
      %dma_start3A_94 = arith.constant 0 : i32
      %dma_start3A_95 = arith.constant 0 : i32
      %dma_start3A_96 = tpu.memref_slice %arg3[%dma_start3A_94, %dma_start3A_95] : memref<100000x128xf32, #tpu.memory_space<hbm>> -> memref<100000x128xf32, #tpu.memory_space<hbm>>
      %dma_start3A_97 = tpu.memref_slice %arg7[%dma_start3A_86] : memref<4x!tpu.dma_semaphore, #tpu.memory_space<semaphore_mem>> -> memref<1x!tpu.dma_semaphore, #tpu.memory_space<semaphore_mem>>
      %dma_start3A_98 = tpu.memref_squeeze %dma_start3A_97 : memref<1x!tpu.dma_semaphore, #tpu.memory_space<semaphore_mem>> -> memref<!tpu.dma_semaphore, #tpu.memory_space<semaphore_mem>>
      tpu.enqueue_indirect_dma source(%dma_start3A_96 : memref<100000x128xf32, #tpu.memory_space<hbm>>) target(%dma_start3A_90 : memref<128x128xf32, #tpu.memory_space<vmem>>) offsets(%dma_start3A_93 : memref<128xi32, #tpu.memory_space<vmem>>) semaphore(%dma_start3A_98 : memref<!tpu.dma_semaphore, #tpu.memory_space<semaphore_mem>>)
      %gt3A_99 = arith.constant 0 : i32
      %gt3A_100 = arith.cmpi sgt, %scan3A_79, %gt3A_99 : i32
      %convert_element_type3A_101 = arith.extui %gt3A_100 : i1 to i32
      %cond3A_102 = arith.constant 0 : i32
      %cond3A_103 = arith.cmpi ne, %convert_element_type3A_101, %cond3A_102 : i32
      scf.if %cond3A_103 {
        %dma_wait3A_310 = arith.constant 1 : i32
        %dma_wait3A_311 = arith.constant 1 : i32
        %dma_wait3A_312 = arith.constant 0 : i32
        %dma_wait3A_313 = arith.constant 0 : i32
        %dma_wait3A_314 = tpu.memref_slice %arg6[%dma_wait3A_310, %dma_wait3A_312, %dma_wait3A_313] : memref<4x128x128xf32, #tpu.memory_space<vmem>> -> memref<1x128x128xf32, #tpu.memory_space<vmem>>
        %dma_wait3A_315 = tpu.memref_squeeze %dma_wait3A_314 : memref<1x128x128xf32, #tpu.memory_space<vmem>> -> memref<128x128xf32, #tpu.memory_space<vmem>>
        %dma_wait3A_316 = arith.constant 0 : i32
        %dma_wait3A_317 = arith.constant 0 : i32
        %dma_wait3A_318 = tpu.memref_slice %arg4[%dma_wait3A_316, %dma_wait3A_317] : memref<819200x128xf32, #tpu.memory_space<hbm>> -> memref<128x128xf32, #tpu.memory_space<hbm>>
        %dma_wait3A_319 = tpu.memref_slice %arg8[%dma_wait3A_311] : memref<4x!tpu.dma_semaphore, #tpu.memory_space<semaphore_mem>> -> memref<1x!tpu.dma_semaphore, #tpu.memory_space<semaphore_mem>>
        %dma_wait3A_320 = tpu.memref_squeeze %dma_wait3A_319 : memref<1x!tpu.dma_semaphore, #tpu.memory_space<semaphore_mem>> -> memref<!tpu.dma_semaphore, #tpu.memory_space<semaphore_mem>>
        %dma_wait3A_321 = arith.constant 0 : i32
        %dma_wait3A_322 = arith.constant 0 : i32
        %dma_wait3A_323 = tpu.memref_slice %arg6[%dma_wait3A_310, %dma_wait3A_321, %dma_wait3A_322] : memref<4x128x128xf32, #tpu.memory_space<vmem>> -> memref<1x128x128xf32, #tpu.memory_space<vmem>>
        %dma_wait3A_324 = tpu.memref_squeeze %dma_wait3A_323 : memref<1x128x128xf32, #tpu.memory_space<vmem>> -> memref<128x128xf32, #tpu.memory_space<vmem>>
        %dma_wait3A_325 = arith.constant 0 : i32
        %dma_wait3A_326 = arith.constant 0 : i32
        %dma_wait3A_327 = tpu.memref_slice %arg4[%dma_wait3A_325, %dma_wait3A_326] : memref<819200x128xf32, #tpu.memory_space<hbm>> -> memref<128x128xf32, #tpu.memory_space<hbm>>
        tpu.wait_dma2 semaphore(%dma_wait3A_320 : memref<!tpu.dma_semaphore, #tpu.memory_space<semaphore_mem>>) src(%dma_wait3A_327 : memref<128x128xf32, #tpu.memory_space<hbm>>) dst(%dma_wait3A_324 : memref<128x128xf32, #tpu.memory_space<vmem>>)
      } else {
      }
      %add3A_104 = arith.constant 1 : i32
      %add3A_105 = arith.addi %mul3A_81, %add3A_104 : i32
      %dma_start3A_106 = arith.constant 1 : i32
      %dma_start3A_107 = arith.constant 1 : i32
      %dma_start3A_108 = arith.constant 0 : i32
      %dma_start3A_109 = arith.constant 0 : i32
      %dma_start3A_110 = tpu.memref_slice %arg6[%dma_start3A_106, %dma_start3A_108, %dma_start3A_109] : memref<4x128x128xf32, #tpu.memory_space<vmem>> -> memref<1x128x128xf32, #tpu.memory_space<vmem>>
      %dma_start3A_111 = tpu.memref_squeeze %dma_start3A_110 : memref<1x128x128xf32, #tpu.memory_space<vmem>> -> memref<128x128xf32, #tpu.memory_space<vmem>>
      %dma_start3A_112 = arith.constant 0 : i32
      %dma_start3A_113 = tpu.memref_slice %arg5[%add3A_105, %dma_start3A_112] : memref<200x128xi32, #tpu.memory_space<vmem>> -> memref<1x128xi32, #tpu.memory_space<vmem>>
      %dma_start3A_114 = tpu.memref_squeeze %dma_start3A_113 : memref<1x128xi32, #tpu.memory_space<vmem>> -> memref<128xi32, #tpu.memory_space<vmem>>
      %dma_start3A_115 = arith.constant 0 : i32
      %dma_start3A_116 = arith.constant 0 : i32
      %dma_start3A_117 = tpu.memref_slice %arg3[%dma_start3A_115, %dma_start3A_116] : memref<100000x128xf32, #tpu.memory_space<hbm>> -> memref<100000x128xf32, #tpu.memory_space<hbm>>
      %dma_start3A_118 = tpu.memref_slice %arg7[%dma_start3A_107] : memref<4x!tpu.dma_semaphore, #tpu.memory_space<semaphore_mem>> -> memref<1x!tpu.dma_semaphore, #tpu.memory_space<semaphore_mem>>
      %dma_start3A_119 = tpu.memref_squeeze %dma_start3A_118 : memref<1x!tpu.dma_semaphore, #tpu.memory_space<semaphore_mem>> -> memref<!tpu.dma_semaphore, #tpu.memory_space<semaphore_mem>>
      tpu.enqueue_indirect_dma source(%dma_start3A_117 : memref<100000x128xf32, #tpu.memory_space<hbm>>) target(%dma_start3A_111 : memref<128x128xf32, #tpu.memory_space<vmem>>) offsets(%dma_start3A_114 : memref<128xi32, #tpu.memory_space<vmem>>) semaphore(%dma_start3A_119 : memref<!tpu.dma_semaphore, #tpu.memory_space<semaphore_mem>>)
      %gt3A_120 = arith.constant 0 : i32
      %gt3A_121 = arith.cmpi sgt, %scan3A_79, %gt3A_120 : i32
      %convert_element_type3A_122 = arith.extui %gt3A_121 : i1 to i32
      %cond3A_123 = arith.constant 0 : i32
      %cond3A_124 = arith.cmpi ne, %convert_element_type3A_122, %cond3A_123 : i32
      scf.if %cond3A_124 {
        %dma_wait3A_310 = arith.constant 2 : i32
        %dma_wait3A_311 = arith.constant 2 : i32
        %dma_wait3A_312 = arith.constant 0 : i32
        %dma_wait3A_313 = arith.constant 0 : i32
        %dma_wait3A_314 = tpu.memref_slice %arg6[%dma_wait3A_310, %dma_wait3A_312, %dma_wait3A_313] : memref<4x128x128xf32, #tpu.memory_space<vmem>> -> memref<1x128x128xf32, #tpu.memory_space<vmem>>
        %dma_wait3A_315 = tpu.memref_squeeze %dma_wait3A_314 : memref<1x128x128xf32, #tpu.memory_space<vmem>> -> memref<128x128xf32, #tpu.memory_space<vmem>>
        %dma_wait3A_316 = arith.constant 0 : i32
        %dma_wait3A_317 = arith.constant 0 : i32
        %dma_wait3A_318 = tpu.memref_slice %arg4[%dma_wait3A_316, %dma_wait3A_317] : memref<819200x128xf32, #tpu.memory_space<hbm>> -> memref<128x128xf32, #tpu.memory_space<hbm>>
        %dma_wait3A_319 = tpu.memref_slice %arg8[%dma_wait3A_311] : memref<4x!tpu.dma_semaphore, #tpu.memory_space<semaphore_mem>> -> memref<1x!tpu.dma_semaphore, #tpu.memory_space<semaphore_mem>>
        %dma_wait3A_320 = tpu.memref_squeeze %dma_wait3A_319 : memref<1x!tpu.dma_semaphore, #tpu.memory_space<semaphore_mem>> -> memref<!tpu.dma_semaphore, #tpu.memory_space<semaphore_mem>>
        %dma_wait3A_321 = arith.constant 0 : i32
        %dma_wait3A_322 = arith.constant 0 : i32
        %dma_wait3A_323 = tpu.memref_slice %arg6[%dma_wait3A_310, %dma_wait3A_321, %dma_wait3A_322] : memref<4x128x128xf32, #tpu.memory_space<vmem>> -> memref<1x128x128xf32, #tpu.memory_space<vmem>>
        %dma_wait3A_324 = tpu.memref_squeeze %dma_wait3A_323 : memref<1x128x128xf32, #tpu.memory_space<vmem>> -> memref<128x128xf32, #tpu.memory_space<vmem>>
        %dma_wait3A_325 = arith.constant 0 : i32
        %dma_wait3A_326 = arith.constant 0 : i32
        %dma_wait3A_327 = tpu.memref_slice %arg4[%dma_wait3A_325, %dma_wait3A_326] : memref<819200x128xf32, #tpu.memory_space<hbm>> -> memref<128x128xf32, #tpu.memory_space<hbm>>
        tpu.wait_dma2 semaphore(%dma_wait3A_320 : memref<!tpu.dma_semaphore, #tpu.memory_space<semaphore_mem>>) src(%dma_wait3A_327 : memref<128x128xf32, #tpu.memory_space<hbm>>) dst(%dma_wait3A_324 : memref<128x128xf32, #tpu.memory_space<vmem>>)
      } else {
      }
      %add3A_125 = arith.constant 2 : i32
      %add3A_126 = arith.addi %mul3A_81, %add3A_125 : i32
      %dma_start3A_127 = arith.constant 2 : i32
      %dma_start3A_128 = arith.constant 2 : i32
      %dma_start3A_129 = arith.constant 0 : i32
      %dma_start3A_130 = arith.constant 0 : i32
      %dma_start3A_131 = tpu.memref_slice %arg6[%dma_start3A_127, %dma_start3A_129, %dma_start3A_130] : memref<4x128x128xf32, #tpu.memory_space<vmem>> -> memref<1x128x128xf32, #tpu.memory_space<vmem>>
      %dma_start3A_132 = tpu.memref_squeeze %dma_start3A_131 : memref<1x128x128xf32, #tpu.memory_space<vmem>> -> memref<128x128xf32, #tpu.memory_space<vmem>>
      %dma_start3A_133 = arith.constant 0 : i32
      %dma_start3A_134 = tpu.memref_slice %arg5[%add3A_126, %dma_start3A_133] : memref<200x128xi32, #tpu.memory_space<vmem>> -> memref<1x128xi32, #tpu.memory_space<vmem>>
      %dma_start3A_135 = tpu.memref_squeeze %dma_start3A_134 : memref<1x128xi32, #tpu.memory_space<vmem>> -> memref<128xi32, #tpu.memory_space<vmem>>
      %dma_start3A_136 = arith.constant 0 : i32
      %dma_start3A_137 = arith.constant 0 : i32
      %dma_start3A_138 = tpu.memref_slice %arg3[%dma_start3A_136, %dma_start3A_137] : memref<100000x128xf32, #tpu.memory_space<hbm>> -> memref<100000x128xf32, #tpu.memory_space<hbm>>
      %dma_start3A_139 = tpu.memref_slice %arg7[%dma_start3A_128] : memref<4x!tpu.dma_semaphore, #tpu.memory_space<semaphore_mem>> -> memref<1x!tpu.dma_semaphore, #tpu.memory_space<semaphore_mem>>
      %dma_start3A_140 = tpu.memref_squeeze %dma_start3A_139 : memref<1x!tpu.dma_semaphore, #tpu.memory_space<semaphore_mem>> -> memref<!tpu.dma_semaphore, #tpu.memory_space<semaphore_mem>>
      tpu.enqueue_indirect_dma source(%dma_start3A_138 : memref<100000x128xf32, #tpu.memory_space<hbm>>) target(%dma_start3A_132 : memref<128x128xf32, #tpu.memory_space<vmem>>) offsets(%dma_start3A_135 : memref<128xi32, #tpu.memory_space<vmem>>) semaphore(%dma_start3A_140 : memref<!tpu.dma_semaphore, #tpu.memory_space<semaphore_mem>>)
      %gt3A_141 = arith.constant 0 : i32
      %gt3A_142 = arith.cmpi sgt, %scan3A_79, %gt3A_141 : i32
      %convert_element_type3A_143 = arith.extui %gt3A_142 : i1 to i32
      %cond3A_144 = arith.constant 0 : i32
      %cond3A_145 = arith.cmpi ne, %convert_element_type3A_143, %cond3A_144 : i32
      scf.if %cond3A_145 {
        %dma_wait3A_310 = arith.constant 3 : i32
        %dma_wait3A_311 = arith.constant 3 : i32
        %dma_wait3A_312 = arith.constant 0 : i32
        %dma_wait3A_313 = arith.constant 0 : i32
        %dma_wait3A_314 = tpu.memref_slice %arg6[%dma_wait3A_310, %dma_wait3A_312, %dma_wait3A_313] : memref<4x128x128xf32, #tpu.memory_space<vmem>> -> memref<1x128x128xf32, #tpu.memory_space<vmem>>
        %dma_wait3A_315 = tpu.memref_squeeze %dma_wait3A_314 : memref<1x128x128xf32, #tpu.memory_space<vmem>> -> memref<128x128xf32, #tpu.memory_space<vmem>>
        %dma_wait3A_316 = arith.constant 0 : i32
        %dma_wait3A_317 = arith.constant 0 : i32
        %dma_wait3A_318 = tpu.memref_slice %arg4[%dma_wait3A_316, %dma_wait3A_317] : memref<819200x128xf32, #tpu.memory_space<hbm>> -> memref<128x128xf32, #tpu.memory_space<hbm>>
        %dma_wait3A_319 = tpu.memref_slice %arg8[%dma_wait3A_311] : memref<4x!tpu.dma_semaphore, #tpu.memory_space<semaphore_mem>> -> memref<1x!tpu.dma_semaphore, #tpu.memory_space<semaphore_mem>>
        %dma_wait3A_320 = tpu.memref_squeeze %dma_wait3A_319 : memref<1x!tpu.dma_semaphore, #tpu.memory_space<semaphore_mem>> -> memref<!tpu.dma_semaphore, #tpu.memory_space<semaphore_mem>>
        %dma_wait3A_321 = arith.constant 0 : i32
        %dma_wait3A_322 = arith.constant 0 : i32
        %dma_wait3A_323 = tpu.memref_slice %arg6[%dma_wait3A_310, %dma_wait3A_321, %dma_wait3A_322] : memref<4x128x128xf32, #tpu.memory_space<vmem>> -> memref<1x128x128xf32, #tpu.memory_space<vmem>>
        %dma_wait3A_324 = tpu.memref_squeeze %dma_wait3A_323 : memref<1x128x128xf32, #tpu.memory_space<vmem>> -> memref<128x128xf32, #tpu.memory_space<vmem>>
        %dma_wait3A_325 = arith.constant 0 : i32
        %dma_wait3A_326 = arith.constant 0 : i32
        %dma_wait3A_327 = tpu.memref_slice %arg4[%dma_wait3A_325, %dma_wait3A_326] : memref<819200x128xf32, #tpu.memory_space<hbm>> -> memref<128x128xf32, #tpu.memory_space<hbm>>
        tpu.wait_dma2 semaphore(%dma_wait3A_320 : memref<!tpu.dma_semaphore, #tpu.memory_space<semaphore_mem>>) src(%dma_wait3A_327 : memref<128x128xf32, #tpu.memory_space<hbm>>) dst(%dma_wait3A_324 : memref<128x128xf32, #tpu.memory_space<vmem>>)
      } else {
      }
      %add3A_146 = arith.constant 3 : i32
      %add3A_147 = arith.addi %mul3A_81, %add3A_146 : i32
      %dma_start3A_148 = arith.constant 3 : i32
      %dma_start3A_149 = arith.constant 3 : i32
      %dma_start3A_150 = arith.constant 0 : i32
      %dma_start3A_151 = arith.constant 0 : i32
      %dma_start3A_152 = tpu.memref_slice %arg6[%dma_start3A_148, %dma_start3A_150, %dma_start3A_151] : memref<4x128x128xf32, #tpu.memory_space<vmem>> -> memref<1x128x128xf32, #tpu.memory_space<vmem>>
      %dma_start3A_153 = tpu.memref_squeeze %dma_start3A_152 : memref<1x128x128xf32, #tpu.memory_space<vmem>> -> memref<128x128xf32, #tpu.memory_space<vmem>>
      %dma_start3A_154 = arith.constant 0 : i32
      %dma_start3A_155 = tpu.memref_slice %arg5[%add3A_147, %dma_start3A_154] : memref<200x128xi32, #tpu.memory_space<vmem>> -> memref<1x128xi32, #tpu.memory_space<vmem>>
      %dma_start3A_156 = tpu.memref_squeeze %dma_start3A_155 : memref<1x128xi32, #tpu.memory_space<vmem>> -> memref<128xi32, #tpu.memory_space<vmem>>
      %dma_start3A_157 = arith.constant 0 : i32
      %dma_start3A_158 = arith.constant 0 : i32
      %dma_start3A_159 = tpu.memref_slice %arg3[%dma_start3A_157, %dma_start3A_158] : memref<100000x128xf32, #tpu.memory_space<hbm>> -> memref<100000x128xf32, #tpu.memory_space<hbm>>
      %dma_start3A_160 = tpu.memref_slice %arg7[%dma_start3A_149] : memref<4x!tpu.dma_semaphore, #tpu.memory_space<semaphore_mem>> -> memref<1x!tpu.dma_semaphore, #tpu.memory_space<semaphore_mem>>
      %dma_start3A_161 = tpu.memref_squeeze %dma_start3A_160 : memref<1x!tpu.dma_semaphore, #tpu.memory_space<semaphore_mem>> -> memref<!tpu.dma_semaphore, #tpu.memory_space<semaphore_mem>>
      tpu.enqueue_indirect_dma source(%dma_start3A_159 : memref<100000x128xf32, #tpu.memory_space<hbm>>) target(%dma_start3A_153 : memref<128x128xf32, #tpu.memory_space<vmem>>) offsets(%dma_start3A_156 : memref<128xi32, #tpu.memory_space<vmem>>) semaphore(%dma_start3A_161 : memref<!tpu.dma_semaphore, #tpu.memory_space<semaphore_mem>>)
      %add3A_162 = arith.constant 0 : i32
      %add3A_163 = arith.addi %mul3A_81, %add3A_162 : i32
      %dma_wait3A_164 = arith.constant 0 : i32
      %dma_wait3A_165 = arith.constant 0 : i32
      %dma_wait3A_166 = arith.constant 0 : i32
      %dma_wait3A_167 = arith.constant 0 : i32
      %dma_wait3A_168 = tpu.memref_slice %arg6[%dma_wait3A_164, %dma_wait3A_166, %dma_wait3A_167] : memref<4x128x128xf32, #tpu.memory_space<vmem>> -> memref<1x128x128xf32, #tpu.memory_space<vmem>>
      %dma_wait3A_169 = tpu.memref_squeeze %dma_wait3A_168 : memref<1x128x128xf32, #tpu.memory_space<vmem>> -> memref<128x128xf32, #tpu.memory_space<vmem>>
      %dma_wait3A_170 = arith.constant 0 : i32
      %dma_wait3A_171 = tpu.memref_slice %arg5[%add3A_163, %dma_wait3A_170] : memref<200x128xi32, #tpu.memory_space<vmem>> -> memref<1x128xi32, #tpu.memory_space<vmem>>
      %dma_wait3A_172 = tpu.memref_squeeze %dma_wait3A_171 : memref<1x128xi32, #tpu.memory_space<vmem>> -> memref<128xi32, #tpu.memory_space<vmem>>
      %dma_wait3A_173 = arith.constant 0 : i32
      %dma_wait3A_174 = arith.constant 0 : i32
      %dma_wait3A_175 = tpu.memref_slice %arg3[%dma_wait3A_173, %dma_wait3A_174] : memref<100000x128xf32, #tpu.memory_space<hbm>> -> memref<100000x128xf32, #tpu.memory_space<hbm>>
      %dma_wait3A_176 = tpu.memref_slice %arg7[%dma_wait3A_165] : memref<4x!tpu.dma_semaphore, #tpu.memory_space<semaphore_mem>> -> memref<1x!tpu.dma_semaphore, #tpu.memory_space<semaphore_mem>>
      %dma_wait3A_177 = tpu.memref_squeeze %dma_wait3A_176 : memref<1x!tpu.dma_semaphore, #tpu.memory_space<semaphore_mem>> -> memref<!tpu.dma_semaphore, #tpu.memory_space<semaphore_mem>>
      tpu.wait_indirect_dma semaphore(%dma_wait3A_177 : memref<!tpu.dma_semaphore, #tpu.memory_space<semaphore_mem>>) src(%dma_wait3A_175 : memref<100000x128xf32, #tpu.memory_space<hbm>>) dst(%dma_wait3A_169 : memref<128x128xf32, #tpu.memory_space<vmem>>)
      %add3A_178 = arith.constant 0 : i32
      %add3A_179 = arith.addi %mul3A_81, %add3A_178 : i32
      %mul3A_180 = arith.constant 128 : i32
      %mul3A_181 = arith.muli %add3A_179, %mul3A_180 : i32
      %add3A_182 = arith.addi %mul3A_2, %mul3A_181 : i32
      %dma_start3A_183 = arith.constant 0 : i32
      %dma_start3A_184 = arith.constant 0 : i32
      %dma_start3A_185 = arith.constant 0 : i32
      %dma_start3A_186 = arith.constant 0 : i32
      %dma_start3A_187 = tpu.memref_slice %arg6[%dma_start3A_183, %dma_start3A_185, %dma_start3A_186] : memref<4x128x128xf32, #tpu.memory_space<vmem>> -> memref<1x128x128xf32, #tpu.memory_space<vmem>>
      %dma_start3A_188 = tpu.memref_squeeze %dma_start3A_187 : memref<1x128x128xf32, #tpu.memory_space<vmem>> -> memref<128x128xf32, #tpu.memory_space<vmem>>
      %dma_start3A_189 = arith.constant 0 : i32
      %dma_start3A_190 = tpu.memref_slice %arg4[%add3A_182, %dma_start3A_189] : memref<819200x128xf32, #tpu.memory_space<hbm>> -> memref<128x128xf32, #tpu.memory_space<hbm>>
      %dma_start3A_191 = tpu.memref_slice %arg8[%dma_start3A_184] : memref<4x!tpu.dma_semaphore, #tpu.memory_space<semaphore_mem>> -> memref<1x!tpu.dma_semaphore, #tpu.memory_space<semaphore_mem>>
      %dma_start3A_192 = tpu.memref_squeeze %dma_start3A_191 : memref<1x!tpu.dma_semaphore, #tpu.memory_space<semaphore_mem>> -> memref<!tpu.dma_semaphore, #tpu.memory_space<semaphore_mem>>
      %dma_start3A_193 = arith.constant 0 : i32
      %dma_start3A_194 = tpu.memref_slice %arg4[%add3A_182, %dma_start3A_193] : memref<819200x128xf32, #tpu.memory_space<hbm>> -> memref<128x128xf32, #tpu.memory_space<hbm>>
      %dma_start3A_195 = arith.constant 0 : i32
      %dma_start3A_196 = arith.constant 0 : i32
      %dma_start3A_197 = tpu.memref_slice %arg6[%dma_start3A_183, %dma_start3A_195, %dma_start3A_196] : memref<4x128x128xf32, #tpu.memory_space<vmem>> -> memref<1x128x128xf32, #tpu.memory_space<vmem>>
      %dma_start3A_198 = tpu.memref_squeeze %dma_start3A_197 : memref<1x128x128xf32, #tpu.memory_space<vmem>> -> memref<128x128xf32, #tpu.memory_space<vmem>>
      tpu.enqueue_dma source(%dma_start3A_198 : memref<128x128xf32, #tpu.memory_space<vmem>>) target(%dma_start3A_194 : memref<128x128xf32, #tpu.memory_space<hbm>>) target_semaphore(%dma_start3A_192 : memref<!tpu.dma_semaphore, #tpu.memory_space<semaphore_mem>>)
      %add3A_199 = arith.constant 1 : i32
      %add3A_200 = arith.addi %mul3A_81, %add3A_199 : i32
      %dma_wait3A_201 = arith.constant 1 : i32
      %dma_wait3A_202 = arith.constant 1 : i32
      %dma_wait3A_203 = arith.constant 0 : i32
      %dma_wait3A_204 = arith.constant 0 : i32
      %dma_wait3A_205 = tpu.memref_slice %arg6[%dma_wait3A_201, %dma_wait3A_203, %dma_wait3A_204] : memref<4x128x128xf32, #tpu.memory_space<vmem>> -> memref<1x128x128xf32, #tpu.memory_space<vmem>>
      %dma_wait3A_206 = tpu.memref_squeeze %dma_wait3A_205 : memref<1x128x128xf32, #tpu.memory_space<vmem>> -> memref<128x128xf32, #tpu.memory_space<vmem>>
      %dma_wait3A_207 = arith.constant 0 : i32
      %dma_wait3A_208 = tpu.memref_slice %arg5[%add3A_200, %dma_wait3A_207] : memref<200x128xi32, #tpu.memory_space<vmem>> -> memref<1x128xi32, #tpu.memory_space<vmem>>
      %dma_wait3A_209 = tpu.memref_squeeze %dma_wait3A_208 : memref<1x128xi32, #tpu.memory_space<vmem>> -> memref<128xi32, #tpu.memory_space<vmem>>
      %dma_wait3A_210 = arith.constant 0 : i32
      %dma_wait3A_211 = arith.constant 0 : i32
      %dma_wait3A_212 = tpu.memref_slice %arg3[%dma_wait3A_210, %dma_wait3A_211] : memref<100000x128xf32, #tpu.memory_space<hbm>> -> memref<100000x128xf32, #tpu.memory_space<hbm>>
      %dma_wait3A_213 = tpu.memref_slice %arg7[%dma_wait3A_202] : memref<4x!tpu.dma_semaphore, #tpu.memory_space<semaphore_mem>> -> memref<1x!tpu.dma_semaphore, #tpu.memory_space<semaphore_mem>>
      %dma_wait3A_214 = tpu.memref_squeeze %dma_wait3A_213 : memref<1x!tpu.dma_semaphore, #tpu.memory_space<semaphore_mem>> -> memref<!tpu.dma_semaphore, #tpu.memory_space<semaphore_mem>>
      tpu.wait_indirect_dma semaphore(%dma_wait3A_214 : memref<!tpu.dma_semaphore, #tpu.memory_space<semaphore_mem>>) src(%dma_wait3A_212 : memref<100000x128xf32, #tpu.memory_space<hbm>>) dst(%dma_wait3A_206 : memref<128x128xf32, #tpu.memory_space<vmem>>)
      %add3A_215 = arith.constant 1 : i32
      %add3A_216 = arith.addi %mul3A_81, %add3A_215 : i32
      %mul3A_217 = arith.constant 128 : i32
      %mul3A_218 = arith.muli %add3A_216, %mul3A_217 : i32
      %add3A_219 = arith.addi %mul3A_2, %mul3A_218 : i32
      %dma_start3A_220 = arith.constant 1 : i32
      %dma_start3A_221 = arith.constant 1 : i32
      %dma_start3A_222 = arith.constant 0 : i32
      %dma_start3A_223 = arith.constant 0 : i32
      %dma_start3A_224 = tpu.memref_slice %arg6[%dma_start3A_220, %dma_start3A_222, %dma_start3A_223] : memref<4x128x128xf32, #tpu.memory_space<vmem>> -> memref<1x128x128xf32, #tpu.memory_space<vmem>>
      %dma_start3A_225 = tpu.memref_squeeze %dma_start3A_224 : memref<1x128x128xf32, #tpu.memory_space<vmem>> -> memref<128x128xf32, #tpu.memory_space<vmem>>
      %dma_start3A_226 = arith.constant 0 : i32
      %dma_start3A_227 = tpu.memref_slice %arg4[%add3A_219, %dma_start3A_226] : memref<819200x128xf32, #tpu.memory_space<hbm>> -> memref<128x128xf32, #tpu.memory_space<hbm>>
      %dma_start3A_228 = tpu.memref_slice %arg8[%dma_start3A_221] : memref<4x!tpu.dma_semaphore, #tpu.memory_space<semaphore_mem>> -> memref<1x!tpu.dma_semaphore, #tpu.memory_space<semaphore_mem>>
      %dma_start3A_229 = tpu.memref_squeeze %dma_start3A_228 : memref<1x!tpu.dma_semaphore, #tpu.memory_space<semaphore_mem>> -> memref<!tpu.dma_semaphore, #tpu.memory_space<semaphore_mem>>
      %dma_start3A_230 = arith.constant 0 : i32
      %dma_start3A_231 = tpu.memref_slice %arg4[%add3A_219, %dma_start3A_230] : memref<819200x128xf32, #tpu.memory_space<hbm>> -> memref<128x128xf32, #tpu.memory_space<hbm>>
      %dma_start3A_232 = arith.constant 0 : i32
      %dma_start3A_233 = arith.constant 0 : i32
      %dma_start3A_234 = tpu.memref_slice %arg6[%dma_start3A_220, %dma_start3A_232, %dma_start3A_233] : memref<4x128x128xf32, #tpu.memory_space<vmem>> -> memref<1x128x128xf32, #tpu.memory_space<vmem>>
      %dma_start3A_235 = tpu.memref_squeeze %dma_start3A_234 : memref<1x128x128xf32, #tpu.memory_space<vmem>> -> memref<128x128xf32, #tpu.memory_space<vmem>>
      tpu.enqueue_dma source(%dma_start3A_235 : memref<128x128xf32, #tpu.memory_space<vmem>>) target(%dma_start3A_231 : memref<128x128xf32, #tpu.memory_space<hbm>>) target_semaphore(%dma_start3A_229 : memref<!tpu.dma_semaphore, #tpu.memory_space<semaphore_mem>>)
      %add3A_236 = arith.constant 2 : i32
      %add3A_237 = arith.addi %mul3A_81, %add3A_236 : i32
      %dma_wait3A_238 = arith.constant 2 : i32
      %dma_wait3A_239 = arith.constant 2 : i32
      %dma_wait3A_240 = arith.constant 0 : i32
      %dma_wait3A_241 = arith.constant 0 : i32
      %dma_wait3A_242 = tpu.memref_slice %arg6[%dma_wait3A_238, %dma_wait3A_240, %dma_wait3A_241] : memref<4x128x128xf32, #tpu.memory_space<vmem>> -> memref<1x128x128xf32, #tpu.memory_space<vmem>>
      %dma_wait3A_243 = tpu.memref_squeeze %dma_wait3A_242 : memref<1x128x128xf32, #tpu.memory_space<vmem>> -> memref<128x128xf32, #tpu.memory_space<vmem>>
      %dma_wait3A_244 = arith.constant 0 : i32
      %dma_wait3A_245 = tpu.memref_slice %arg5[%add3A_237, %dma_wait3A_244] : memref<200x128xi32, #tpu.memory_space<vmem>> -> memref<1x128xi32, #tpu.memory_space<vmem>>
      %dma_wait3A_246 = tpu.memref_squeeze %dma_wait3A_245 : memref<1x128xi32, #tpu.memory_space<vmem>> -> memref<128xi32, #tpu.memory_space<vmem>>
      %dma_wait3A_247 = arith.constant 0 : i32
      %dma_wait3A_248 = arith.constant 0 : i32
      %dma_wait3A_249 = tpu.memref_slice %arg3[%dma_wait3A_247, %dma_wait3A_248] : memref<100000x128xf32, #tpu.memory_space<hbm>> -> memref<100000x128xf32, #tpu.memory_space<hbm>>
      %dma_wait3A_250 = tpu.memref_slice %arg7[%dma_wait3A_239] : memref<4x!tpu.dma_semaphore, #tpu.memory_space<semaphore_mem>> -> memref<1x!tpu.dma_semaphore, #tpu.memory_space<semaphore_mem>>
      %dma_wait3A_251 = tpu.memref_squeeze %dma_wait3A_250 : memref<1x!tpu.dma_semaphore, #tpu.memory_space<semaphore_mem>> -> memref<!tpu.dma_semaphore, #tpu.memory_space<semaphore_mem>>
      tpu.wait_indirect_dma semaphore(%dma_wait3A_251 : memref<!tpu.dma_semaphore, #tpu.memory_space<semaphore_mem>>) src(%dma_wait3A_249 : memref<100000x128xf32, #tpu.memory_space<hbm>>) dst(%dma_wait3A_243 : memref<128x128xf32, #tpu.memory_space<vmem>>)
      %add3A_252 = arith.constant 2 : i32
      %add3A_253 = arith.addi %mul3A_81, %add3A_252 : i32
      %mul3A_254 = arith.constant 128 : i32
      %mul3A_255 = arith.muli %add3A_253, %mul3A_254 : i32
      %add3A_256 = arith.addi %mul3A_2, %mul3A_255 : i32
      %dma_start3A_257 = arith.constant 2 : i32
      %dma_start3A_258 = arith.constant 2 : i32
      %dma_start3A_259 = arith.constant 0 : i32
      %dma_start3A_260 = arith.constant 0 : i32
      %dma_start3A_261 = tpu.memref_slice %arg6[%dma_start3A_257, %dma_start3A_259, %dma_start3A_260] : memref<4x128x128xf32, #tpu.memory_space<vmem>> -> memref<1x128x128xf32, #tpu.memory_space<vmem>>
      %dma_start3A_262 = tpu.memref_squeeze %dma_start3A_261 : memref<1x128x128xf32, #tpu.memory_space<vmem>> -> memref<128x128xf32, #tpu.memory_space<vmem>>
      %dma_start3A_263 = arith.constant 0 : i32
      %dma_start3A_264 = tpu.memref_slice %arg4[%add3A_256, %dma_start3A_263] : memref<819200x128xf32, #tpu.memory_space<hbm>> -> memref<128x128xf32, #tpu.memory_space<hbm>>
      %dma_start3A_265 = tpu.memref_slice %arg8[%dma_start3A_258] : memref<4x!tpu.dma_semaphore, #tpu.memory_space<semaphore_mem>> -> memref<1x!tpu.dma_semaphore, #tpu.memory_space<semaphore_mem>>
      %dma_start3A_266 = tpu.memref_squeeze %dma_start3A_265 : memref<1x!tpu.dma_semaphore, #tpu.memory_space<semaphore_mem>> -> memref<!tpu.dma_semaphore, #tpu.memory_space<semaphore_mem>>
      %dma_start3A_267 = arith.constant 0 : i32
      %dma_start3A_268 = tpu.memref_slice %arg4[%add3A_256, %dma_start3A_267] : memref<819200x128xf32, #tpu.memory_space<hbm>> -> memref<128x128xf32, #tpu.memory_space<hbm>>
      %dma_start3A_269 = arith.constant 0 : i32
      %dma_start3A_270 = arith.constant 0 : i32
      %dma_start3A_271 = tpu.memref_slice %arg6[%dma_start3A_257, %dma_start3A_269, %dma_start3A_270] : memref<4x128x128xf32, #tpu.memory_space<vmem>> -> memref<1x128x128xf32, #tpu.memory_space<vmem>>
      %dma_start3A_272 = tpu.memref_squeeze %dma_start3A_271 : memref<1x128x128xf32, #tpu.memory_space<vmem>> -> memref<128x128xf32, #tpu.memory_space<vmem>>
      tpu.enqueue_dma source(%dma_start3A_272 : memref<128x128xf32, #tpu.memory_space<vmem>>) target(%dma_start3A_268 : memref<128x128xf32, #tpu.memory_space<hbm>>) target_semaphore(%dma_start3A_266 : memref<!tpu.dma_semaphore, #tpu.memory_space<semaphore_mem>>)
      %add3A_273 = arith.constant 3 : i32
      %add3A_274 = arith.addi %mul3A_81, %add3A_273 : i32
      %dma_wait3A_275 = arith.constant 3 : i32
      %dma_wait3A_276 = arith.constant 3 : i32
      %dma_wait3A_277 = arith.constant 0 : i32
      %dma_wait3A_278 = arith.constant 0 : i32
      %dma_wait3A_279 = tpu.memref_slice %arg6[%dma_wait3A_275, %dma_wait3A_277, %dma_wait3A_278] : memref<4x128x128xf32, #tpu.memory_space<vmem>> -> memref<1x128x128xf32, #tpu.memory_space<vmem>>
      %dma_wait3A_280 = tpu.memref_squeeze %dma_wait3A_279 : memref<1x128x128xf32, #tpu.memory_space<vmem>> -> memref<128x128xf32, #tpu.memory_space<vmem>>
      %dma_wait3A_281 = arith.constant 0 : i32
      %dma_wait3A_282 = tpu.memref_slice %arg5[%add3A_274, %dma_wait3A_281] : memref<200x128xi32, #tpu.memory_space<vmem>> -> memref<1x128xi32, #tpu.memory_space<vmem>>
      %dma_wait3A_283 = tpu.memref_squeeze %dma_wait3A_282 : memref<1x128xi32, #tpu.memory_space<vmem>> -> memref<128xi32, #tpu.memory_space<vmem>>
      %dma_wait3A_284 = arith.constant 0 : i32
      %dma_wait3A_285 = arith.constant 0 : i32
      %dma_wait3A_286 = tpu.memref_slice %arg3[%dma_wait3A_284, %dma_wait3A_285] : memref<100000x128xf32, #tpu.memory_space<hbm>> -> memref<100000x128xf32, #tpu.memory_space<hbm>>
      %dma_wait3A_287 = tpu.memref_slice %arg7[%dma_wait3A_276] : memref<4x!tpu.dma_semaphore, #tpu.memory_space<semaphore_mem>> -> memref<1x!tpu.dma_semaphore, #tpu.memory_space<semaphore_mem>>
      %dma_wait3A_288 = tpu.memref_squeeze %dma_wait3A_287 : memref<1x!tpu.dma_semaphore, #tpu.memory_space<semaphore_mem>> -> memref<!tpu.dma_semaphore, #tpu.memory_space<semaphore_mem>>
      tpu.wait_indirect_dma semaphore(%dma_wait3A_288 : memref<!tpu.dma_semaphore, #tpu.memory_space<semaphore_mem>>) src(%dma_wait3A_286 : memref<100000x128xf32, #tpu.memory_space<hbm>>) dst(%dma_wait3A_280 : memref<128x128xf32, #tpu.memory_space<vmem>>)
      %add3A_289 = arith.constant 3 : i32
      %add3A_290 = arith.addi %mul3A_81, %add3A_289 : i32
      %mul3A_291 = arith.constant 128 : i32
      %mul3A_292 = arith.muli %add3A_290, %mul3A_291 : i32
      %add3A_293 = arith.addi %mul3A_2, %mul3A_292 : i32
      %dma_start3A_294 = arith.constant 3 : i32
      %dma_start3A_295 = arith.constant 3 : i32
      %dma_start3A_296 = arith.constant 0 : i32
      %dma_start3A_297 = arith.constant 0 : i32
      %dma_start3A_298 = tpu.memref_slice %arg6[%dma_start3A_294, %dma_start3A_296, %dma_start3A_297] : memref<4x128x128xf32, #tpu.memory_space<vmem>> -> memref<1x128x128xf32, #tpu.memory_space<vmem>>
      %dma_start3A_299 = tpu.memref_squeeze %dma_start3A_298 : memref<1x128x128xf32, #tpu.memory_space<vmem>> -> memref<128x128xf32, #tpu.memory_space<vmem>>
      %dma_start3A_300 = arith.constant 0 : i32
      %dma_start3A_301 = tpu.memref_slice %arg4[%add3A_293, %dma_start3A_300] : memref<819200x128xf32, #tpu.memory_space<hbm>> -> memref<128x128xf32, #tpu.memory_space<hbm>>
      %dma_start3A_302 = tpu.memref_slice %arg8[%dma_start3A_295] : memref<4x!tpu.dma_semaphore, #tpu.memory_space<semaphore_mem>> -> memref<1x!tpu.dma_semaphore, #tpu.memory_space<semaphore_mem>>
      %dma_start3A_303 = tpu.memref_squeeze %dma_start3A_302 : memref<1x!tpu.dma_semaphore, #tpu.memory_space<semaphore_mem>> -> memref<!tpu.dma_semaphore, #tpu.memory_space<semaphore_mem>>
      %dma_start3A_304 = arith.constant 0 : i32
      %dma_start3A_305 = tpu.memref_slice %arg4[%add3A_293, %dma_start3A_304] : memref<819200x128xf32, #tpu.memory_space<hbm>> -> memref<128x128xf32, #tpu.memory_space<hbm>>
      %dma_start3A_306 = arith.constant 0 : i32
      %dma_start3A_307 = arith.constant 0 : i32
      %dma_start3A_308 = tpu.memref_slice %arg6[%dma_start3A_294, %dma_start3A_306, %dma_start3A_307] : memref<4x128x128xf32, #tpu.memory_space<vmem>> -> memref<1x128x128xf32, #tpu.memory_space<vmem>>
      %dma_start3A_309 = tpu.memref_squeeze %dma_start3A_308 : memref<1x128x128xf32, #tpu.memory_space<vmem>> -> memref<128x128xf32, #tpu.memory_space<vmem>>
      tpu.enqueue_dma source(%dma_start3A_309 : memref<128x128xf32, #tpu.memory_space<vmem>>) target(%dma_start3A_305 : memref<128x128xf32, #tpu.memory_space<hbm>>) target_semaphore(%dma_start3A_303 : memref<!tpu.dma_semaphore, #tpu.memory_space<semaphore_mem>>)
    }
    %scan3A_7 = arith.constant 50 : i32
    %dma_wait3A = arith.constant 0 : i32
    %dma_wait3A_8 = arith.constant 0 : i32
    %dma_wait3A_9 = arith.constant 0 : i32
    %dma_wait3A_10 = arith.constant 0 : i32
    %dma_wait3A_11 = tpu.memref_slice %arg6[%dma_wait3A, %dma_wait3A_9, %dma_wait3A_10] : memref<4x128x128xf32, #tpu.memory_space<vmem>> -> memref<1x128x128xf32, #tpu.memory_space<vmem>>
    %dma_wait3A_12 = tpu.memref_squeeze %dma_wait3A_11 : memref<1x128x128xf32, #tpu.memory_space<vmem>> -> memref<128x128xf32, #tpu.memory_space<vmem>>
    %dma_wait3A_13 = arith.constant 0 : i32
    %dma_wait3A_14 = arith.constant 0 : i32
    %dma_wait3A_15 = tpu.memref_slice %arg4[%dma_wait3A_13, %dma_wait3A_14] : memref<819200x128xf32, #tpu.memory_space<hbm>> -> memref<128x128xf32, #tpu.memory_space<hbm>>
    %dma_wait3A_16 = tpu.memref_slice %arg8[%dma_wait3A_8] : memref<4x!tpu.dma_semaphore, #tpu.memory_space<semaphore_mem>> -> memref<1x!tpu.dma_semaphore, #tpu.memory_space<semaphore_mem>>
    %dma_wait3A_17 = tpu.memref_squeeze %dma_wait3A_16 : memref<1x!tpu.dma_semaphore, #tpu.memory_space<semaphore_mem>> -> memref<!tpu.dma_semaphore, #tpu.memory_space<semaphore_mem>>
    %dma_wait3A_18 = arith.constant 0 : i32
    %dma_wait3A_19 = arith.constant 0 : i32
    %dma_wait3A_20 = tpu.memref_slice %arg6[%dma_wait3A, %dma_wait3A_18, %dma_wait3A_19] : memref<4x128x128xf32, #tpu.memory_space<vmem>> -> memref<1x128x128xf32, #tpu.memory_space<vmem>>
    %dma_wait3A_21 = tpu.memref_squeeze %dma_wait3A_20 : memref<1x128x128xf32, #tpu.memory_space<vmem>> -> memref<128x128xf32, #tpu.memory_space<vmem>>
    %dma_wait3A_22 = arith.constant 0 : i32
    %dma_wait3A_23 = arith.constant 0 : i32
    %dma_wait3A_24 = tpu.memref_slice %arg4[%dma_wait3A_22, %dma_wait3A_23] : memref<819200x128xf32, #tpu.memory_space<hbm>> -> memref<128x128xf32, #tpu.memory_space<hbm>>
    tpu.wait_dma2 semaphore(%dma_wait3A_17 : memref<!tpu.dma_semaphore, #tpu.memory_space<semaphore_mem>>) src(%dma_wait3A_24 : memref<128x128xf32, #tpu.memory_space<hbm>>) dst(%dma_wait3A_21 : memref<128x128xf32, #tpu.memory_space<vmem>>)
    %dma_wait3A_25 = arith.constant 1 : i32
    %dma_wait3A_26 = arith.constant 1 : i32
    %dma_wait3A_27 = arith.constant 0 : i32
    %dma_wait3A_28 = arith.constant 0 : i32
    %dma_wait3A_29 = tpu.memref_slice %arg6[%dma_wait3A_25, %dma_wait3A_27, %dma_wait3A_28] : memref<4x128x128xf32, #tpu.memory_space<vmem>> -> memref<1x128x128xf32, #tpu.memory_space<vmem>>
    %dma_wait3A_30 = tpu.memref_squeeze %dma_wait3A_29 : memref<1x128x128xf32, #tpu.memory_space<vmem>> -> memref<128x128xf32, #tpu.memory_space<vmem>>
    %dma_wait3A_31 = arith.constant 0 : i32
    %dma_wait3A_32 = arith.constant 0 : i32
    %dma_wait3A_33 = tpu.memref_slice %arg4[%dma_wait3A_31, %dma_wait3A_32] : memref<819200x128xf32, #tpu.memory_space<hbm>> -> memref<128x128xf32, #tpu.memory_space<hbm>>
    %dma_wait3A_34 = tpu.memref_slice %arg8[%dma_wait3A_26] : memref<4x!tpu.dma_semaphore, #tpu.memory_space<semaphore_mem>> -> memref<1x!tpu.dma_semaphore, #tpu.memory_space<semaphore_mem>>
    %dma_wait3A_35 = tpu.memref_squeeze %dma_wait3A_34 : memref<1x!tpu.dma_semaphore, #tpu.memory_space<semaphore_mem>> -> memref<!tpu.dma_semaphore, #tpu.memory_space<semaphore_mem>>
    %dma_wait3A_36 = arith.constant 0 : i32
    %dma_wait3A_37 = arith.constant 0 : i32
    %dma_wait3A_38 = tpu.memref_slice %arg6[%dma_wait3A_25, %dma_wait3A_36, %dma_wait3A_37] : memref<4x128x128xf32, #tpu.memory_space<vmem>> -> memref<1x128x128xf32, #tpu.memory_space<vmem>>
    %dma_wait3A_39 = tpu.memref_squeeze %dma_wait3A_38 : memref<1x128x128xf32, #tpu.memory_space<vmem>> -> memref<128x128xf32, #tpu.memory_space<vmem>>
    %dma_wait3A_40 = arith.constant 0 : i32
    %dma_wait3A_41 = arith.constant 0 : i32
    %dma_wait3A_42 = tpu.memref_slice %arg4[%dma_wait3A_40, %dma_wait3A_41] : memref<819200x128xf32, #tpu.memory_space<hbm>> -> memref<128x128xf32, #tpu.memory_space<hbm>>
    tpu.wait_dma2 semaphore(%dma_wait3A_35 : memref<!tpu.dma_semaphore, #tpu.memory_space<semaphore_mem>>) src(%dma_wait3A_42 : memref<128x128xf32, #tpu.memory_space<hbm>>) dst(%dma_wait3A_39 : memref<128x128xf32, #tpu.memory_space<vmem>>)
    %dma_wait3A_43 = arith.constant 2 : i32
    %dma_wait3A_44 = arith.constant 2 : i32
    %dma_wait3A_45 = arith.constant 0 : i32
    %dma_wait3A_46 = arith.constant 0 : i32
    %dma_wait3A_47 = tpu.memref_slice %arg6[%dma_wait3A_43, %dma_wait3A_45, %dma_wait3A_46] : memref<4x128x128xf32, #tpu.memory_space<vmem>> -> memref<1x128x128xf32, #tpu.memory_space<vmem>>
    %dma_wait3A_48 = tpu.memref_squeeze %dma_wait3A_47 : memref<1x128x128xf32, #tpu.memory_space<vmem>> -> memref<128x128xf32, #tpu.memory_space<vmem>>
    %dma_wait3A_49 = arith.constant 0 : i32
    %dma_wait3A_50 = arith.constant 0 : i32
    %dma_wait3A_51 = tpu.memref_slice %arg4[%dma_wait3A_49, %dma_wait3A_50] : memref<819200x128xf32, #tpu.memory_space<hbm>> -> memref<128x128xf32, #tpu.memory_space<hbm>>
    %dma_wait3A_52 = tpu.memref_slice %arg8[%dma_wait3A_44] : memref<4x!tpu.dma_semaphore, #tpu.memory_space<semaphore_mem>> -> memref<1x!tpu.dma_semaphore, #tpu.memory_space<semaphore_mem>>
    %dma_wait3A_53 = tpu.memref_squeeze %dma_wait3A_52 : memref<1x!tpu.dma_semaphore, #tpu.memory_space<semaphore_mem>> -> memref<!tpu.dma_semaphore, #tpu.memory_space<semaphore_mem>>
    %dma_wait3A_54 = arith.constant 0 : i32
    %dma_wait3A_55 = arith.constant 0 : i32
    %dma_wait3A_56 = tpu.memref_slice %arg6[%dma_wait3A_43, %dma_wait3A_54, %dma_wait3A_55] : memref<4x128x128xf32, #tpu.memory_space<vmem>> -> memref<1x128x128xf32, #tpu.memory_space<vmem>>
    %dma_wait3A_57 = tpu.memref_squeeze %dma_wait3A_56 : memref<1x128x128xf32, #tpu.memory_space<vmem>> -> memref<128x128xf32, #tpu.memory_space<vmem>>
    %dma_wait3A_58 = arith.constant 0 : i32
    %dma_wait3A_59 = arith.constant 0 : i32
    %dma_wait3A_60 = tpu.memref_slice %arg4[%dma_wait3A_58, %dma_wait3A_59] : memref<819200x128xf32, #tpu.memory_space<hbm>> -> memref<128x128xf32, #tpu.memory_space<hbm>>
    tpu.wait_dma2 semaphore(%dma_wait3A_53 : memref<!tpu.dma_semaphore, #tpu.memory_space<semaphore_mem>>) src(%dma_wait3A_60 : memref<128x128xf32, #tpu.memory_space<hbm>>) dst(%dma_wait3A_57 : memref<128x128xf32, #tpu.memory_space<vmem>>)
    %dma_wait3A_61 = arith.constant 3 : i32
    %dma_wait3A_62 = arith.constant 3 : i32
    %dma_wait3A_63 = arith.constant 0 : i32
    %dma_wait3A_64 = arith.constant 0 : i32
    %dma_wait3A_65 = tpu.memref_slice %arg6[%dma_wait3A_61, %dma_wait3A_63, %dma_wait3A_64] : memref<4x128x128xf32, #tpu.memory_space<vmem>> -> memref<1x128x128xf32, #tpu.memory_space<vmem>>
    %dma_wait3A_66 = tpu.memref_squeeze %dma_wait3A_65 : memref<1x128x128xf32, #tpu.memory_space<vmem>> -> memref<128x128xf32, #tpu.memory_space<vmem>>
    %dma_wait3A_67 = arith.constant 0 : i32
    %dma_wait3A_68 = arith.constant 0 : i32
    %dma_wait3A_69 = tpu.memref_slice %arg4[%dma_wait3A_67, %dma_wait3A_68] : memref<819200x128xf32, #tpu.memory_space<hbm>> -> memref<128x128xf32, #tpu.memory_space<hbm>>
    %dma_wait3A_70 = tpu.memref_slice %arg8[%dma_wait3A_62] : memref<4x!tpu.dma_semaphore, #tpu.memory_space<semaphore_mem>> -> memref<1x!tpu.dma_semaphore, #tpu.memory_space<semaphore_mem>>
    %dma_wait3A_71 = tpu.memref_squeeze %dma_wait3A_70 : memref<1x!tpu.dma_semaphore, #tpu.memory_space<semaphore_mem>> -> memref<!tpu.dma_semaphore, #tpu.memory_space<semaphore_mem>>
    %dma_wait3A_72 = arith.constant 0 : i32
    %dma_wait3A_73 = arith.constant 0 : i32
    %dma_wait3A_74 = tpu.memref_slice %arg6[%dma_wait3A_61, %dma_wait3A_72, %dma_wait3A_73] : memref<4x128x128xf32, #tpu.memory_space<vmem>> -> memref<1x128x128xf32, #tpu.memory_space<vmem>>
    %dma_wait3A_75 = tpu.memref_squeeze %dma_wait3A_74 : memref<1x128x128xf32, #tpu.memory_space<vmem>> -> memref<128x128xf32, #tpu.memory_space<vmem>>
    %dma_wait3A_76 = arith.constant 0 : i32
    %dma_wait3A_77 = arith.constant 0 : i32
    %dma_wait3A_78 = tpu.memref_slice %arg4[%dma_wait3A_76, %dma_wait3A_77] : memref<819200x128xf32, #tpu.memory_space<hbm>> -> memref<128x128xf32, #tpu.memory_space<hbm>>
    tpu.wait_dma2 semaphore(%dma_wait3A_71 : memref<!tpu.dma_semaphore, #tpu.memory_space<semaphore_mem>>) src(%dma_wait3A_78 : memref<128x128xf32, #tpu.memory_space<hbm>>) dst(%dma_wait3A_75 : memref<128x128xf32, #tpu.memory_space<vmem>>)
    return
  }
}

</mosaic_0001>

<sc_bundles>
// kernel: _embed.3.cloned.1.call-start
scs
__scs_entry_jumppad:
0x0: {  	(pc) =	sbr.rel $0x88, $3  }
0x1: {  	(tag) =	ssettag $0x0;
	lr =	simm.s32 $0x1  }
0x2: {  	[smem:$0x3F9F] =	sst lr;
	_ =	strace $0xD0000000  }
0x3: {  	_ = 	snop  }
0x4: {  	_ = 	snop  }
0x5: {  	_ = 	snop  }
0x6: {  	_ = 	snop  }
0x7: {  	_ = 	snop  }
__scs_overlays_trampoline_lowered:
0x8: {  	[smem:$0x3FAE] =	sst s0  }
0x9: {  	[smem:$0x3FAF] =	sst s1  }
0xa: {  	[smem:$0x3FB0] =	sst s2  }
0xb: {  	[smem:$0x3FB1] =	sst s3  }
0xc: {  	[smem:$0x3FB2] =	sst s4  }
0xd: {  	[smem:$0x3FB3] =	sst s5  }
0xe: {  	[smem:$0x3FB4] =	sst s6  }
0xf: {  	[smem:$0x3FB5] =	sst s7  }
0x10: {  	[smem:$0x3FB6] =	sst s8  }
0x11: {  	[smem:$0x3FB7] =	sst s9;
	s0 =	simm.s32 @!p0 $0x0  }
0x12: {  	s1 =	sld [smem:$0x3F9D];
	s0 =	simm.s32 @p0 $0x1  }
0x13: {  	[smem:$0x3FB8] =	sst s0;
	s0 =	simm.s32 @!p1 $0x0  }
0x14: {  	s2 =	sld [smem:$0x3F9C];
	s0 =	simm.s32 @p1 $0x1  }
0x15: {  	[smem:$0x3FB9] =	sst s0;
	s0 =	simm.s32 @!p2 $0x0  }
0x16: {  	s3 =	sld [smem:$0x3FDB];
	s0 =	simm.s32 @p2 $0x1  }
0x17: {  	s4 =	simm.s32 $0x1BF5;
	[smem:$0x3FBB] =	sst s0  }
0x18: {  	s0 =	sld [smem:$0x3F9E];
	_ =	swait.ge [sflag:s4], $0x0  }
0x19: {  	s7 =	sld [smem:$0x3F9F]  }
0x1a: {  	s8 =	sadd.s32 $0xFFFFE003, lr  }
0x1b: {  	s9 =	sadd.s32 $0xFFFFFEF7, lr;
	s5 =	simm.s32 $0xFFFFFFFF;
	p2 =	slt.u32 s8, $0xFFFFF086  }
0x1c: {  	p1 =	slt.u32 s9, $0xF7A;
	s5 =	simm.s32 @!p2 $0x0  }
0x1d: {  	s5 =	simm.s32 @p1 $0x1;
	p0 =	seq.s32 s7, s2  }
0x1e: {  	s7 =	smul.u32 @!p0 $0xF7A, s2;
	p2 =	seq.s32 @!p0 s5, $0x0  }
0x1f: {  	s9 =	smul.u32 $0xF7A, s1;
	s8 =	simm.s32 @!p0 $0x1BF5;
	p2 =	por !p2, p0  }
0x20: {  	[sflag:s8] =	ssyncset.s32 @!p0 $0xFFFFF086;
	s6 =	sadd.s32 @!p0 s3, s7;
	s7 =	simm.s32 @!p0 $0x108  }
0x21: {  	s3 =	sadd.s32 s3, s9;
	s6 =	sadd.s32 @!p0 $0x88, s6;
	s7 =	simm.s32 @p2 $0x1082  }
0x22: {  	[simem:s7], [sflag:s8] =	dma.local @!p0 [hbm:s6], $0xF7A  }
0x23: {  	s9 =	sor.u32 $0xD0000000, s2;
	s6 =	simm.s32 $0x108;
	_ =	swait.ge @!p0 [sflag:s8], $0x0  }
0x24: {  	s3 =	sadd.s32 $0x88, s3;
	s6 =	simm.s32 @!p1 $0x1082;
	[sflag:s4] =	ssyncset.s32 $0xFFFFF086  }
0x25: {  	[simem:s6], [sflag:s4] =	dma.local [hbm:s3], $0xF7A  }
0x26: {  	[smem:$0x3F9F] =	sst s1;
	(tag) =	ssettag s2;
	_ =	strace s9  }
0x27: {  	s1 =	sld [smem:$0x3FAF]  }
0x28: {  	s2 =	sld [smem:$0x3FB0]  }
0x29: {  	s4 =	sld [smem:$0x3FB2]  }
0x2a: {  	p0 =	seq.s32 s5, $0x0;
	s5 =	sld [smem:$0x3FB3]  }
0x2b: {  	s6 =	sld [smem:$0x3FB4]  }
0x2c: {  	s7 =	sld [smem:$0x3FB5]  }
0x2d: {  	s3 =	simm.s32 $0x108;
	s8 =	sld [smem:$0x3FB6]  }
0x2e: {  	s3 =	simm.s32 @!p0 $0x1082;
	s9 =	sld [smem:$0x3FB7]  }
0x2f: {  	lr =	sadd.s32 s0, s3;
	s0 =	sld [smem:$0x3FAE]  }
0x30: {  	s3 =	sld [smem:$0x3FB1]  }
0x31: {  	[smem:$0x3FBA] =	sst s10  }
0x32: {  	s10 =	sld [smem:$0x3FB8];
	_ =	sdelay $0x3  }
0x33: {  	p0 =	seq.s32 s10, $0x1;
	s10 =	sld [smem:$0x3FBA];
	_ =	sdelay $0x3  }
0x34: {  	[smem:$0x3FBA] =	sst s10  }
0x35: {  	s10 =	sld [smem:$0x3FB9];
	_ =	sdelay $0x3  }
0x36: {  	p1 =	seq.s32 s10, $0x1;
	s10 =	sld [smem:$0x3FBA];
	_ =	sdelay $0x3  }
0x37: {  	[smem:$0x3FBA] =	sst s10  }
0x38: {  	s10 =	sld [smem:$0x3FBB]  }
0x39: {  	_ = 	snop;
	(pc) =	sbr.ind lr, $3  }
0x3a: {  	_ = 	snop  }
0x3b: {  	_ = 	snop  }
0x3c: {  	p2 =	seq.s32 s10, $0x1;
	s10 =	sld [smem:$0x3FBA]  }
0x3d: {  	_ =	shalt  }
0x3e: {  	_ =	shalt  }
0x3f: {  	_ =	shalt  }
0x40: {  	_ =	shalt  }
0x41: {  	_ =	shalt  }
0x42: {  	_ =	shalt  }
0x43: {  	_ =	shalt  }
0x44: {  	_ =	shalt  }
0x45: {  	_ =	shalt  }
0x46: {  	_ =	shalt  }
0x47: {  	_ =	shalt  }
0x48: {  	_ =	shalt  }
0x49: {  	_ =	shalt  }
0x4a: {  	_ =	shalt  }
0x4b: {  	_ =	shalt  }
0x4c: {  	_ =	shalt  }
0x4d: {  	_ =	shalt  }
0x4e: {  	_ =	shalt  }
0x4f: {  	_ =	shalt  }
0x50: {  	_ =	shalt  }
0x51: {  	_ =	shalt  }
0x52: {  	_ =	shalt  }
0x53: {  	_ =	shalt  }
0x54: {  	_ =	shalt  }
0x55: {  	_ =	shalt  }
0x56: {  	_ =	shalt  }
0x57: {  	_ =	shalt  }
0x58: {  	_ =	shalt  }
0x59: {  	_ =	shalt  }
0x5a: {  	_ =	shalt  }
0x5b: {  	_ =	shalt  }
0x5c: {  	_ =	shalt  }
0x5d: {  	_ =	shalt  }
0x5e: {  	_ =	shalt  }
0x5f: {  	_ =	shalt  }
0x60: {  	_ =	shalt  }
0x61: {  	_ =	shalt  }
0x62: {  	_ =	shalt  }
0x63: {  	_ =	shalt  }
0x64: {  	_ =	shalt  }
0x65: {  	_ =	shalt  }
0x66: {  	_ =	shalt  }
0x67: {  	_ =	shalt  }
0x68: {  	_ =	shalt  }
0x69: {  	_ =	shalt  }
0x6a: {  	_ =	shalt  }
0x6b: {  	_ =	shalt  }
0x6c: {  	_ =	shalt  }
0x6d: {  	_ =	shalt  }
0x6e: {  	_ =	shalt  }
0x6f: {  	_ =	shalt  }
0x70: {  	_ =	shalt  }
0x71: {  	_ =	shalt  }
0x72: {  	_ =	shalt  }
0x73: {  	_ =	shalt  }
0x74: {  	_ =	shalt  }
0x75: {  	_ =	shalt  }
0x76: {  	_ =	shalt  }
0x77: {  	_ =	shalt  }
0x78: {  	_ =	shalt  }
0x79: {  	_ =	shalt  }
0x7a: {  	_ =	shalt  }
0x7b: {  	_ =	shalt  }
0x7c: {  	_ =	shalt  }
0x7d: {  	_ =	shalt  }
0x7e: {  	_ =	shalt  }
0x7f: {  	_ =	shalt  }
0x80: {  	_ =	shalt  }
0x81: {  	_ =	shalt  }
0x82: {  	_ =	shalt  }
0x83: {  	_ =	shalt  }
0x84: {  	_ =	shalt  }
0x85: {  	_ =	shalt  }
0x86: {  	_ =	shalt  }
0x87: {  	_ =	shalt  }
.Lfunc_end0:
.L_simem_size_0:
called_computation_lowered:
.L_overlay_start_0:
0x88: {  	s2 =	sld [smem:$0x3FD9]  }
0x89: {  	s3 =	sld [smem:$0x3FFE];
	_ =	sdelay $0x1  }
0x8a: {  	s1 =	srdreg.scid  }
0x8b: {  	s0 =	sand.u32 $0x1, s1  }
0x8c: {  	s18 =	sshll.u32 s0, $0xA;
	s2 =	sadd.s32 s3, s2  }
0x8d: {  	s2 =	sadd.s32 s2, s18  }
0x8e: {  	[smem:$0x3FC6] =	sst s2  }
0x8f: {  	_ = 	snop  }
0x90: {  	s2 =	sld [smem:$0x3FC9]  }
0x91: {  	s19 =	sld [smem:$0x3FC8]  }
0x92: {  	s4 =	sld [smem:$0x3FD0];
	(tm) =	ssettm $0x1  }
0x93: {  	s5 =	sld [smem:$0x3FFB];
	_ =	sdelay $0x3  }
0x94: {  	_ =	strace s5  }
0x95: {  	s5 =	sld [smem:$0x3FFC];
	_ =	sdelay $0x3  }
0x96: {  	_ =	strace s5  }
0x97: {  	s5 =	sld [smem:$0x3FFD];
	_ =	sdelay $0x3  }
0x98: {  	_ =	strace s5  }
0x99: {  	_ =	strace $0x8FFFFFFF  }
0x9a: {  	s20 =	sld [smem:$0x3FDB];
	_ =	sdelay $0x1  }
0x9b: {  	s6 =	simm.s32 $_scs_section_size  }
0x9c: {  	s7 =	simm.s32 $_size__tile_overlayer_lowered;
	s8 =	simm.s32 $_tile_overlayer_lowered  }
0x9d: {  	s23 =	simm.s32 $0x1BFF;
	s22 =	sshll.u32 s8, $0x1;
	s5 =	sadd.s32 s6, s20  }
0x9e: {  	s9 =	simm.s32 $0x0;
	s21 =	sshll.u32 s7, $0x1;
	s7 =	sadd.s32 s22, s5  }
0x9f: {  	[timem:s9], [sflag:s23] =	dma.local [hbm:s7], s21  }
0xa0: {  	_ =	swait.ge [sflag:s23], s21  }
0xa1: {  	s6 =	ssub.s32 $0x0, s21;
	[sflag:s23] =	ssyncset.done $0x0  }
0xa2: {  	[sflag:s23] =	ssyncadd.s32 s6;
	_ =	sdelay $0x1  }
0xa3: {  	s24 =	simm.s32 $0x1B8B  }
0xa4: {  	_ =	swait.ge [sflag:s24], $0x1  }
0xa5: {  	[sflag:s24] =	ssyncset.done $0x0  }
0xa6: {  	s25 =	simm.s32 $0x1B8E;
	[sflag:s24] =	ssyncadd.s32 $0xFFFFFFFF  }
0xa7: {  	s26 =	simm.s32 $execute0_lowered;
	[smem:$0x3FD2] =	sst s25  }
0xa8: {  	s6 =	sshll.u32 s26, $0x1;
	_ =	strace $0x80000046;
	[dreg:$0x1] =	wrdreg $0xFFFFFFFF  }
0xa9: {  	s28 =	simm.s32 $_size_execute0_lowered;
	s5 =	sadd.s32 s5, s6;
	[dreg:$0x0] =	wrdreg $0x0  }
0xaa: {  	s6 =	sshll.u32 s28, $0x1;
	[dreg:$0x2] =	wrdreg s5  }
0xab: {  	[dreg:$0x3] =	wrdreg s6  }
0xac: {  	[dreg:$0x4] =	wrdreg $0xC0  }
0xad: {  	_ =	task [dreg:s9], $0x5FFFF  }
0xae: {  	[dreg:$0x1] =	wrdreg $0xFFFFFFFF  }
0xaf: {  	[dreg:$0x0] =	wrdreg $0x60  }
0xb0: {  	[dreg:$0x2] =	wrdreg s2  }
0xb1: {  	[dreg:$0x3] =	wrdreg s19  }
0xb2: {  	[dreg:$0x4] =	wrdreg s4  }
0xb3: {  	[dreg:$0x5] =	wrdreg $0x9  }
0xb4: {  	_ =	task.clear_ibuf [dreg:s9], $0x6FFFF;
	_ =	strace $0x90000046  }
0xb5: {  	s29 =	simm.s32 $0x9;
	_ =	strace $0x80000048  }
0xb6: {  	_ =	swait.ge [sflag:s29], $0x1  }
0xb7: {  	[sflag:s29] =	ssyncadd.s32 $0xFFFFFFFF  }
0xb8: {  	_ =	strace $0x90000048  }
0xb9: {  	_ =	sfence  }
0xba: {  	s30 =	sld [smem:$0x0];
	_ =	sdelay $0x2  }
0xbb: {  	s31 =	sshll.u32 s1, $0xD;
	s1 =	sshrl.u32 s1, $0x2  }
0xbc: {  	s3 =	sand.u32 $0x4000, s31;
	s1 =	sadd.s32 s1, s30  }
0xbd: {  	s0 =	sor.u32 s3, s0;
	s1 =	sshll.u32 s1, $0x11  }
0xbe: {  	s0 =	sor.u32 s1, s0  }
0xbf: {  	s0 =	sadd.s32 $0x8F2B, s0  }
0xc0: {  	[sflag:s0] =	ssyncadd.remote.s32 $0x1  }
0xc1: {  	_ =	sfence.sel $0xFFFF  }
0xc2: {  	[dreg:$0x0] =	wrdreg $0xFFFFFFFF;
	(pc) =	sbr.abs _section_cstart, $3  }
0xc3: {  	[dreg:$0x1] =	wrdreg $0xFFFFFFFF  }
0xc4: {  	_ =	task.clear_ibuf [dreg:s9], $0x2FFFF;
	_ =	strace $0x9FFFFFFF  }
0xc5: {  	(tm) =	ssettm $0x7FFFFFFF  }
tec
execute0_lowered:
.L_overlay_start_1:
0x0: {  	(tag) =	ssettag $0x1  }
0x1: {  	s4 =	rddreg [dreg:$0x0]  }
0x2: {  	s1 =	srdreg.scid;
	s2 =	rddreg [dreg:$0x1]  }
0x3: {  	s0 =	stileid.u32;
	s11 =	rddreg [dreg:$0x2]  }
0x4: {  	s13 =	simm.s32 $0x80;
	s14 =	simm.s32 $0x6400;
	s15 =	simm.s32 $0xA400  }
0x5: {  	s16 =	simm.s32 $0x100;
	s17 =	simm.s32 $0xE400;
	s18 =	simm.s32 $0x180  }
0x6: {  	s19 =	simm.s32 $0x12400;
	s20 =	simm.s32 $0x1;
	s21 =	simm.s32 $0x2  }
0x7: {  	s22 =	simm.s32 $0x3;
	s23 =	simm.s32 $0x4;
	s10 =	smul.u32 $0x640000, s0  }
0x8: {  	s24 =	simm.s32 $0x5;
	s1 =	sand.u32 $0x1, s1;
	s12 =	smul.u32 $0xC8000, s0  }
0x9: {  	s25 =	simm.s32 $0x6;
	s3 =	sshll.u32 s0, $0x1;
	s30 =	smul.u32 $0x320000, s1  }
0xa: {  	s5 =	sor.u32 s1, s3;
	s8 =	ssub.s32 $0x2, s1;
	s1 =	smul.u32 $0x64000, s1  }
0xb: {  	s28 =	simm.s32 $0x8;
	s3 =	simm.s32 $0x0;
	s6 =	smul.u32 $0x6400, s5  }
0xc: {  	s29 =	simm.s32 $0x0;
	s7 =	smul.u32 $0x320000, s5;
	[smem:$0x7FF] =	sst s3  }
0xd: {  	s9 =	smul.u32 $0x64000, s5;
	s26 =	sshrl.u32 s8, $0x1;
	_ =	strace $0x80000047  }
0xe: {  	s5 =	ssub.s32 s8, s26;
	s8 =	sadd.s32 s30, s10;
	s26 =	simm.s32 $0x7  }
0xf: {  	s6 =	sshrl.u32 s6, $0x3;
	s5 =	smax.u32 s5, $0x1;
	s31 =	sshrl.u32 s7, $0x3  }
0x10: {  	s9 =	sadd.s32 s9, s11;
	s10 =	sor.u32 $0x10000, s8;
	s4 =	sadd.s32 s4, s6  }
0x11: {  	s6 =	sadd.s32 s11, s31;
	s7 =	sadd.s32 $0x800, s9;
	s10 =	sshrl.u32 s10, $0x3  }
0x12: {  	s8 =	sadd.s32 $0x1000, s9;
	s10 =	sadd.s32 s10, s11;
	s11 =	sadd.s32 s12, s11  }
0x13: {  	s9 =	sadd.s32 $0x1800, s9;
	s12 =	simm.s32 $0x9;
	s11 =	sadd.s32 s1, s11  }
.LBB2_1:
0x14: {  	[tilespmem:s3], [sflag:$0x9] =	stream.linear.gather [hbm4b:s4+s3], $0x6400, $0x38;
	[tilespmem:$0x16400] =	vst v63  }
0x15: {  	_ =	swait.ge [sflag:s12], $0x6400  }
0x16: {  	[sflag:s12] =	ssyncset.done $0x0  }
0x17: {  	[sflag:s12] =	ssyncadd.s32 $0xFFFF9C00  }
0x18: {  	[tilespmem:s14], [sflag:$0x1] =	stream.indirect.gather [hbm4b:s2+s13], $0x80, s3, s13, $0xb8;
	[tilespmem:$0x16400] =	vst v63  }
0x19: {  	_ = 	snop  }
0x1a: {  	[tilespmem:s15], [sflag:$0x2] =	stream.indirect.gather [hbm4b:s2+s13], $0x80, s13, s13, $0xb8;
	[tilespmem:$0x16400] =	vst v63  }
0x1b: {  	_ = 	snop  }
0x1c: {  	[tilespmem:s17], [sflag:$0x3] =	stream.indirect.gather [hbm4b:s2+s13], $0x80, s16, s13, $0xb8;
	[tilespmem:$0x16400] =	vst v63  }
0x1d: {  	_ = 	snop  }
0x1e: {  	[tilespmem:s19], [sflag:$0x4] =	stream.indirect.gather [hbm4b:s2+s13], $0x80, s18, s13, $0xb8;
	[tilespmem:$0x16400] =	vst v63  }
0x1f: {  	_ =	swait.ge [sflag:s20], $0x4000  }
0x20: {  	[sflag:s20] =	ssyncset.done $0x0  }
0x21: {  	[sflag:s20] =	ssyncadd.s32 $0xFFFFC000  }
0x22: {  	[hbm4b:s6+s3] =	stream.linear.scatter [tilespmem:s14], [sflag:$0x5], $0x4000, $0x38;
	[tilespmem:$0x16400] =	vst v63  }
0x23: {  	_ =	swait.ge [sflag:s21], $0x4000  }
0x24: {  	[sflag:s21] =	ssyncset.done $0x0  }
0x25: {  	[sflag:s21] =	ssyncadd.s32 $0xFFFFC000  }
0x26: {  	[hbm4b:s7+s3] =	stream.linear.scatter [tilespmem:s15], [sflag:$0x6], $0x4000, $0x38;
	[tilespmem:$0x16400] =	vst v63  }
0x27: {  	_ =	swait.ge [sflag:s22], $0x4000  }
0x28: {  	[sflag:s22] =	ssyncset.done $0x0  }
0x29: {  	[sflag:s22] =	ssyncadd.s32 $0xFFFFC000  }
0x2a: {  	[hbm4b:s8+s3] =	stream.linear.scatter [tilespmem:s17], [sflag:$0x7], $0x4000, $0x38;
	[tilespmem:$0x16400] =	vst v63  }
0x2b: {  	_ =	swait.ge [sflag:s23], $0x4000  }
0x2c: {  	[sflag:s23] =	ssyncset.done $0x0  }
0x2d: {  	[sflag:s23] =	ssyncadd.s32 $0xFFFFC000  }
0x2e: {  	[hbm4b:s9+s3] =	stream.linear.scatter [tilespmem:s19], [sflag:$0x8], $0x4000, $0x38;
	[tilespmem:$0x16400] =	vst v63  }
0x2f: {  	_ =	swait.ge [sflag:s24], $0x4000  }
0x30: {  	[sflag:s24] =	ssyncset.done $0x0  }
0x31: {  	s1 =	simm.s32 $0x200;
	[sflag:s24] =	ssyncadd.s32 $0xFFFFC000  }
0x32: {  	[tilespmem:s14], [sflag:$0x1] =	stream.indirect.gather [hbm4b:s2+s13], $0x80, s1, s13, $0xb8;
	[tilespmem:$0x16400] =	vst v63  }
0x33: {  	_ =	swait.ge [sflag:s25], $0x4000  }
0x34: {  	[sflag:s25] =	ssyncset.done $0x0  }
0x35: {  	s0 =	simm.s32 $0x280;
	[sflag:s25] =	ssyncadd.s32 $0xFFFFC000  }
0x36: {  	[tilespmem:s15], [sflag:$0x2] =	stream.indirect.gather [hbm4b:s2+s13], $0x80, s0, s13, $0xb8;
	[tilespmem:$0x16400] =	vst v63  }
0x37: {  	_ =	swait.ge [sflag:s26], $0x4000  }
0x38: {  	[sflag:s26] =	ssyncset.done $0x0  }
0x39: {  	s0 =	simm.s32 $0x300;
	[sflag:s26] =	ssyncadd.s32 $0xFFFFC000  }
0x3a: {  	[tilespmem:s17], [sflag:$0x3] =	stream.indirect.gather [hbm4b:s2+s13], $0x80, s0, s13, $0xb8;
	[tilespmem:$0x16400] =	vst v63  }
0x3b: {  	_ =	swait.ge [sflag:s28], $0x4000  }
0x3c: {  	[sflag:s28] =	ssyncset.done $0x0  }
0x3d: {  	s0 =	simm.s32 $0x380;
	[sflag:s28] =	ssyncadd.s32 $0xFFFFC000  }
0x3e: {  	[tilespmem:s19], [sflag:$0x4] =	stream.indirect.gather [hbm4b:s2+s13], $0x80, s0, s13, $0xb8;
	[tilespmem:$0x16400] =	vst v63  }
0x3f: {  	_ =	swait.ge [sflag:s20], $0x4000  }
0x40: {  	[sflag:s20] =	ssyncset.done $0x0  }
0x41: {  	s0 =	sadd.s32 $0x0, s10;
	[sflag:s20] =	ssyncadd.s32 $0xFFFFC000  }
0x42: {  	[hbm4b:s0+s3] =	stream.linear.scatter [tilespmem:s14], [sflag:$0x5], $0x4000, $0x38;
	[tilespmem:$0x16400] =	vst v63  }
0x43: {  	_ =	swait.ge [sflag:s21], $0x4000  }
0x44: {  	s0 =	sadd.s32 $0x0, s11;
	[sflag:s21] =	ssyncset.done $0x0  }
0x45: {  	s30 =	sadd.s32 $0x2800, s0;
	[sflag:s21] =	ssyncadd.s32 $0xFFFFC000  }
0x46: {  	[hbm4b:s30+s3] =	stream.linear.scatter [tilespmem:s15], [sflag:$0x6], $0x4000, $0x38;
	[tilespmem:$0x16400] =	vst v63  }
0x47: {  	_ =	swait.ge [sflag:s22], $0x4000  }
0x48: {  	[sflag:s22] =	ssyncset.done $0x0  }
0x49: {  	s30 =	sadd.s32 $0x3000, s0;
	[sflag:s22] =	ssyncadd.s32 $0xFFFFC000  }
0x4a: {  	[hbm4b:s30+s3] =	stream.linear.scatter [tilespmem:s17], [sflag:$0x7], $0x4000, $0x38;
	[tilespmem:$0x16400] =	vst v63  }
0x4b: {  	_ =	swait.ge [sflag:s23], $0x4000  }
0x4c: {  	s31 =	simm.s32 $0x400;
	[sflag:s23] =	ssyncset.done $0x0  }
0x4d: {  	s1 =	sadd.s32 $0x3800, s0;
	s30 =	simm.s32 $0x2000;
	[sflag:s23] =	ssyncadd.s32 $0xFFFFC000  }
.LBB2_2:
0x4e: {  	[hbm4b:s1+s3] =	stream.linear.scatter [tilespmem:s19], [sflag:$0x8], $0x4000, $0x38;
	[tilespmem:$0x16400] =	vst v63  }
0x4f: {  	s1 =	smov.u32 s30  }
0x50: {  	p0 =	sne.s32 s30, $0x60000;
	s30 =	sadd.s32 $0x2000, s30;
	_ =	swait.ge [sflag:s24], $0x4000  }
0x51: {  	[sflag:s24] =	ssyncset.done $0x0  }
0x52: {  	[sflag:s24] =	ssyncadd.s32 $0xFFFFC000  }
0x53: {  	[tilespmem:s14], [sflag:$0x1] =	stream.indirect.gather [hbm4b:s2+s13], $0x80, s31, s13, $0xb8;
	[tilespmem:$0x16400] =	vst v63  }
0x54: {  	_ =	swait.ge [sflag:s25], $0x4000  }
0x55: {  	[sflag:s25] =	ssyncset.done $0x0  }
0x56: {  	s0 =	sadd.s32 $0x80, s31;
	[sflag:s25] =	ssyncadd.s32 $0xFFFFC000  }
0x57: {  	[tilespmem:s15], [sflag:$0x2] =	stream.indirect.gather [hbm4b:s2+s13], $0x80, s0, s13, $0xb8;
	[tilespmem:$0x16400] =	vst v63  }
0x58: {  	_ =	swait.ge [sflag:s26], $0x4000  }
0x59: {  	[sflag:s26] =	ssyncset.done $0x0  }
0x5a: {  	s0 =	sadd.s32 $0x100, s31;
	[sflag:s26] =	ssyncadd.s32 $0xFFFFC000  }
0x5b: {  	[tilespmem:s17], [sflag:$0x3] =	stream.indirect.gather [hbm4b:s2+s13], $0x80, s0, s13, $0xb8;
	[tilespmem:$0x16400] =	vst v63  }
0x5c: {  	_ =	swait.ge [sflag:s28], $0x4000  }
0x5d: {  	[sflag:s28] =	ssyncset.done $0x0  }
0x5e: {  	s0 =	sadd.s32 $0x180, s31;
	[sflag:s28] =	ssyncadd.s32 $0xFFFFC000  }
0x5f: {  	[tilespmem:s19], [sflag:$0x4] =	stream.indirect.gather [hbm4b:s2+s13], $0x80, s0, s13, $0xb8;
	[tilespmem:$0x16400] =	vst v63  }
0x60: {  	_ =	swait.ge [sflag:s20], $0x4000  }
0x61: {  	[sflag:s20] =	ssyncset.done $0x0  }
0x62: {  	s0 =	sadd.s32 s1, s10;
	[sflag:s20] =	ssyncadd.s32 $0xFFFFC000  }
0x63: {  	[hbm4b:s0+s3] =	stream.linear.scatter [tilespmem:s14], [sflag:$0x5], $0x4000, $0x38;
	[tilespmem:$0x16400] =	vst v63  }
0x64: {  	_ =	swait.ge [sflag:s21], $0x4000  }
0x65: {  	s0 =	sadd.s32 s1, s11;
	[sflag:s21] =	ssyncset.done $0x0  }
0x66: {  	s1 =	sadd.s32 $0x2800, s0;
	[sflag:s21] =	ssyncadd.s32 $0xFFFFC000  }
0x67: {  	[hbm4b:s1+s3] =	stream.linear.scatter [tilespmem:s15], [sflag:$0x6], $0x4000, $0x38;
	[tilespmem:$0x16400] =	vst v63  }
0x68: {  	_ =	swait.ge [sflag:s22], $0x4000  }
0x69: {  	[sflag:s22] =	ssyncset.done $0x0  }
.Ltmp0:
0x6a: {  	s1 =	sadd.s32 $0x3000, s0;
	[sflag:s22] =	ssyncadd.s32 $0xFFFFC000;
	(pc) =	sbr.rel @p0 .LBB2_2-.Ltmp0, $4  }
0x6b: {  	[hbm4b:s1+s3] =	stream.linear.scatter [tilespmem:s17], [sflag:$0x7], $0x4000, $0x38;
	[tilespmem:$0x16400] =	vst v63  }
0x6c: {  	_ =	swait.ge [sflag:s23], $0x4000  }
0x6d: {  	[sflag:s23] =	ssyncset.done $0x0  }
0x6e: {  	s31 =	sadd.s32 $0x200, s31;
	s1 =	sadd.s32 $0x3800, s0;
	[sflag:s23] =	ssyncadd.s32 $0xFFFFC000  }
0x6f: {  	[hbm4b:s1+s3] =	stream.linear.scatter [tilespmem:s19], [sflag:$0x8], $0x4000, $0x38;
	[tilespmem:$0x16400] =	vst v63  }
0x70: {  	_ =	swait.ge [sflag:s24], $0x4000  }
0x71: {  	[sflag:s24] =	ssyncset.done $0x0  }
0x72: {  	[sflag:s24] =	ssyncadd.s32 $0xFFFFC000  }
0x73: {  	_ =	swait.ge [sflag:s25], $0x4000  }
0x74: {  	[sflag:s25] =	ssyncset.done $0x0  }
0x75: {  	s29 =	sadd.s32 $0x1, s29;
	[sflag:s25] =	ssyncadd.s32 $0xFFFFC000  }
0x76: {  	p0 =	sne.s32 s29, s5;
	_ =	swait.ge [sflag:s26], $0x4000  }
.Ltmp1:
0x77: {  	[sflag:s26] =	ssyncset.done $0x0;
	(pc) =	sbr.rel @p0 .LBB2_1-.Ltmp1, $4  }
0x78: {  	[sflag:s26] =	ssyncadd.s32 $0xFFFFC000  }
0x79: {  	_ =	swait.ge [sflag:s28], $0x4000  }
0x7a: {  	[sflag:s28] =	ssyncset.done $0x0  }
0x7b: {  	[sflag:s28] =	ssyncadd.s32 $0xFFFFC000  }
0x7c: {  	_ =	sfence.sel $0x180000  }
0x7d: {  	[bflag:$0x0] =	sbarrier.arrive $0xFFFF  }
0x7e: {  	_ =	strace $0x90000047  }
0x7f: {  	s0 =	stileid.u32;
	[bflag:$0x2] =	sbarrier.arrive $0xFFFF  }
0x80: {  	p0 =	sne.s32 s0, $0x0;
	s0 =	rddreg [dreg:$0x3]  }
0x81: {  	s0 =	sadd.s32 @!p0 $0x100000, s0  }
0x82: {  	[sflag:s0] =	ssyncadd.tile.s32 @!p0 $0x1;
	_ =	shalt  }
.Lfunc_end2:
_tile_overlayer_lowered:
.L_overlay_start_2:
0x83: {  	(tag) =	ssettag $0x2  }
0x84: {  	s0 =	rddreg [dreg:$0x0];
	s2 =	stileid.u32  }
0x85: {  	s1 =	rddreg [dreg:$0x1];
	p0 =	sne.s32 s2, $0x0  }
0x86: {  	s3 =	rddreg [dreg:$0x2];
	[bflag:$0x3] =	sbarrier.arrive $0xFFFF;
	s2 =	simm.s32 @!p0 $0x1C09  }
0x87: {  	[timem:s3], [sflag:s2] =	dma.local @!p0 [hbm:s0], s1  }
0x88: {  	s0 =	simm.s32 @!p0 $0x9  }
0x89: {  	_ =	swait.ge @!p0 [sflag:s0], s1  }
0x8a: {  	s1 =	ssub.s32 @!p0 $0x0, s1;
	[sflag:s0] =	ssyncset.done @!p0 $0x0  }
0x8b: {  	[sflag:s0] =	ssyncadd.s32 @!p0 s1  }
0x8c: {  	[bflag:$0x3] =	sbarrier.arrive $0xFFFF  }
0x8d: {  	_ =	shalt  }

</sc_bundles>
